<compile_context>
chip_gen: v7x
topology: tpu7x:2x2x1
jax: 0.10.2.dev20260603
libtpu: 0.0.44.dev20260713+nightly
codegen_flags: <defaults>
</compile_context>

<pallas_src>
import functools

import jax
import jax.numpy as jnp
from jax import lax
from jax.experimental import pallas as pl
from jax.experimental.pallas import tpu as pltpu
from jax.experimental.pallas import tpu_sc as plsc

NC, NS = 2, 16
NW = NC * NS
B, S, D = 4, 2048, 128
N = B * S
CHUNK = N // NW
IDXW = 128
NJ = CHUNK // IDXW
LANES = 16
NG = D // LANES


def _rsqrt16(v):
    bits = lax.bitcast_convert_type(v, jnp.int32)
    y = lax.bitcast_convert_type(
        jnp.int32(0x5F3759DF) - lax.shift_right_arithmetic(bits, 1), jnp.float32)
    for _ in range(3):
        y = y * (1.5 - 0.5 * v * y * y)
    return y


def _body(ids_hbm, tt_hbm, pos_hbm, word_hbm, postab_hbm, typetab_hbm,
          scale_hbm, bias_hbm, out_hbm,
          idx_v, tt_v, pidx_v, acc_v, pos_v, typ_v, scale_v, bias_v, sem):
    c = lax.axis_index("c")
    s = lax.axis_index("s")
    wid = s * NC + c
    base = wid * CHUNK
    irow = wid * NJ
    prow = lax.rem(wid, S // CHUNK) * NJ

    pltpu.sync_copy(ids_hbm.at[pl.ds(irow, NJ)], idx_v)
    pltpu.sync_copy(tt_hbm.at[pl.ds(irow, NJ)], tt_v)
    pltpu.sync_copy(pos_hbm.at[pl.ds(prow, NJ)], pidx_v)
    pltpu.sync_copy(scale_hbm, scale_v)
    pltpu.sync_copy(bias_hbm, bias_v)

    copies = []
    for j in range(0):
        sl = pl.ds(j * IDXW, IDXW)
        copies.append(pltpu.async_copy(word_hbm.at[idx_v.at[j]],
                                       acc_v.at[sl], sem))
        copies.append(pltpu.async_copy(postab_hbm.at[pidx_v.at[j]],
                                       pos_v.at[sl], sem))
        copies.append(pltpu.async_copy(typetab_hbm.at[tt_v.at[j]],
                                       typ_v.at[sl], sem))
    for cp in copies:
        cp.wait()

    iota = lax.iota(jnp.int32, LANES)
    dnums = lax.GatherDimensionNumbers(
        offset_dims=(), collapsed_slice_dims=(0,), start_index_map=(0,))

    def _xlsum(x):
        for st in (1, 2, 4, 8):
            idx = jnp.bitwise_xor(iota, st)
            x = x + lax.gather(x, idx[:, None], dnums, slice_sizes=(1,),
                               mode=lax.GatherScatterMode.PROMISE_IN_BOUNDS)
        return x

    def token_body(i, carry):
        xs = [acc_v[i, pl.ds(LANES * k, LANES)]
              + pos_v[i, pl.ds(LANES * k, LANES)]
              + typ_v[i, pl.ds(LANES * k, LANES)]
              for k in range(NG)]
        ssum = xs[0]
        ssq = xs[0] * xs[0]
        for k in range(1, NG):
            ssum = ssum + xs[k]
            ssq = ssq + xs[k] * xs[k]
        mean = _xlsum(ssum) * (1.0 / D)
        var = _xlsum(ssq) * (1.0 / D) - mean * mean
        rstd = _rsqrt16(var + 1e-6)
        for k in range(NG):
            sc = scale_v[pl.ds(LANES * k, LANES)]
            bi = bias_v[pl.ds(LANES * k, LANES)]
            acc_v[i, pl.ds(LANES * k, LANES)] = (xs[k] - mean) * rstd * sc + bi
        return carry

    lax.fori_loop(0, CHUNK, token_body, 0)

    pltpu.sync_copy(acc_v, out_hbm.at[pl.ds(base, CHUNK)])


_emb_call = pl.kernel(
    _body,
    out_type=jax.ShapeDtypeStruct((N, D), jnp.float32),
    mesh=plsc.VectorSubcoreMesh(core_axis_name="c", subcore_axis_name="s",
                                num_cores=NC, num_subcores=NS),
    scratch_types=[
        pltpu.VMEM((NJ, IDXW), jnp.int32),
        pltpu.VMEM((NJ, IDXW), jnp.int32),
        pltpu.VMEM((NJ, IDXW), jnp.int32),
        pltpu.VMEM((CHUNK, D), jnp.float32),
        pltpu.VMEM((CHUNK, D), jnp.float32),
        pltpu.VMEM((CHUNK, D), jnp.float32),
        pltpu.VMEM((D,), jnp.float32),
        pltpu.VMEM((D,), jnp.float32),
        pltpu.SemaphoreType.DMA,
    ],
)


def kernel(input_ids, token_type_ids, position_ids, word_table, pos_table,
           type_table, ln_scale, ln_bias):
    ids = input_ids.reshape(N // IDXW, IDXW).astype(jnp.int32)
    tt = token_type_ids.reshape(N // IDXW, IDXW).astype(jnp.int32)
    pos = position_ids.reshape(S // IDXW, IDXW).astype(jnp.int32)
    out = _emb_call(ids, tt, pos, word_table, pos_table, type_table,
                    ln_scale, ln_bias)
    return out.reshape(B, S, D)

# --- scband reference (transcript-rebuilt; emitter-appended) ---
"""Pipeline reference for scband-squeeze-bert-embedding-18047452578731 (READ-ONLY COPY).

The authoritative reference and input builder live on the scoring server;
editing this copy changes nothing except your own understanding.
"""

import jax, jax.numpy as jnp
import numpy as np

VOCAB = 100000
EMB = 128
MAX_POS = 2048
TYPE_VOCAB = 2
B, S = 4, 2048


def setup_inputs(seed: int = 0) -> dict:
    key = jax.random.key(seed)
    k1, k2, k3, k4, k5 = jax.random.split(key, 5)
    input_ids = jax.random.randint(k1, (B, S), 0, VOCAB, dtype=jnp.int64 if jax.config.jax_enable_x64 else jnp.int32)
    token_type_ids = jax.random.randint(k2, (B, S), 0, TYPE_VOCAB, dtype=input_ids.dtype)
    position_ids = jnp.arange(S, dtype=input_ids.dtype)
    word_table = jax.random.normal(k3, (VOCAB, EMB), dtype=jnp.float32) * 0.02
    pos_table = jax.random.normal(k4, (MAX_POS, EMB), dtype=jnp.float32) * 0.02
    type_table = jax.random.normal(k5, (TYPE_VOCAB, EMB), dtype=jnp.float32) * 0.02
    ln_scale = jnp.ones((EMB,), dtype=jnp.float32)
    ln_bias = jnp.zeros((EMB,), dtype=jnp.float32)
    return {
        "input_ids": input_ids,
        "token_type_ids": token_type_ids,
        "position_ids": position_ids,
        "word_table": word_table,
        "pos_table": pos_table,
        "type_table": type_table,
        "ln_scale": ln_scale,
        "ln_bias": ln_bias,
    }


def _layernorm(x, scale, bias, eps=1e-6):
    mean = jnp.mean(x, axis=-1, keepdims=True)
    var = jnp.mean(jnp.square(x - mean), axis=-1, keepdims=True)
    y = (x - mean) * jax.lax.rsqrt(var + eps)
    return y * scale + bias


def reference(input_ids, token_type_ids, position_ids, word_table, pos_table, type_table, ln_scale, ln_bias):
    # Embedding lookups (SparseCore-friendly gathers)
    word_embeddings = jnp.take(word_table, input_ids, axis=0)        # [B, S, EMB]
    position_embeddings = jnp.take(pos_table, position_ids, axis=0)  # [S, EMB] -> broadcast
    token_type_embeddings = jnp.take(type_table, token_type_ids, axis=0)  # [B, S, EMB]
    embeddings = word_embeddings + position_embeddings + token_type_embeddings
    embeddings = _layernorm(embeddings, ln_scale, ln_bias)
    # dropout is identity in deterministic/eval mode
    return embeddings

if __name__ == "__main__":
    import jax
    _d = setup_inputs()
    print(jax.jit(kernel)(*tuple(_d.values())))

</pallas_src>

<mosaic_0001>
#map = affine_map<(d0, d1) -> (0, 0)>
#map1 = affine_map<(d0, d1) -> (0)>
module attributes {stable_mosaic.version = 14 : i64} {
  func.func @_body(%arg0: i32, %arg1: i32, %arg2: memref<64x128xi32, #tpu.memory_space<hbm>>, %arg3: memref<64x128xi32, #tpu.memory_space<hbm>>, %arg4: memref<16x128xi32, #tpu.memory_space<hbm>>, %arg5: memref<100000x128xf32, #tpu.memory_space<hbm>>, %arg6: memref<2048x128xf32, #tpu.memory_space<hbm>>, %arg7: memref<2x128xf32, #tpu.memory_space<hbm>>, %arg8: memref<128xf32, #tpu.memory_space<hbm>>, %arg9: memref<128xf32, #tpu.memory_space<hbm>>, %arg10: memref<8192x128xf32, #tpu.memory_space<hbm>>, %arg11: memref<2x128xi32, #tpu.memory_space<vmem>>, %arg12: memref<2x128xi32, #tpu.memory_space<vmem>>, %arg13: memref<2x128xi32, #tpu.memory_space<vmem>>, %arg14: memref<256x128xf32, #tpu.memory_space<vmem>>, %arg15: memref<256x128xf32, #tpu.memory_space<vmem>>, %arg16: memref<256x128xf32, #tpu.memory_space<vmem>>, %arg17: memref<128xf32, #tpu.memory_space<vmem>>, %arg18: memref<128xf32, #tpu.memory_space<vmem>>, %arg19: memref<!tpu.dma_semaphore, #tpu.memory_space<semaphore_mem>>) attributes {dimension_semantics = [#tpu.dimension_semantics<core_parallel>, #tpu.dimension_semantics<subcore_parallel>], iteration_bounds = array<i64: 2, 16>, scalar_prefetch = 0 : i64, scratch_operands = 9 : i64, tpu.core_type = #tpu.core_type<sc_vector_subcore>, window_params = [{transform_indices = #map}, {transform_indices = #map}, {transform_indices = #map}, {transform_indices = #map}, {transform_indices = #map}, {transform_indices = #map}, {transform_indices = #map1}, {transform_indices = #map1}, {transform_indices = #map}]} {
    %mul3A = arith.constant 2 : i32
    %mul3A_0 = arith.muli %arg1, %mul3A : i32
    %add3A = arith.addi %mul3A_0, %arg0 : i32
    %mul3A_1 = arith.constant 256 : i32
    %mul3A_2 = arith.muli %add3A, %mul3A_1 : i32
    %mul3A_3 = arith.constant 2 : i32
    %mul3A_4 = arith.muli %add3A, %mul3A_3 : i32
    %rem3A = arith.constant 8 : i32
    %rem3A_5 = arith.remsi %add3A, %rem3A : i32
    %mul3A_6 = arith.constant 2 : i32
    %mul3A_7 = arith.muli %rem3A_5, %mul3A_6 : i32
    "tpu.region"() ({
      %run_scoped3A = tpu.sem_alloc : memref<!tpu.dma_semaphore, #tpu.memory_space<semaphore_mem>>
      %dma_start3A = arith.constant 0 : i32
      %dma_start3A_13 = tpu.memref_slice %arg2[%mul3A_4, %dma_start3A] : memref<64x128xi32, #tpu.memory_space<hbm>> -> memref<2x128xi32, #tpu.memory_space<hbm>>
      %dma_start3A_14 = arith.constant 0 : i32
      %dma_start3A_15 = tpu.memref_slice %arg2[%mul3A_4, %dma_start3A_14] : memref<64x128xi32, #tpu.memory_space<hbm>> -> memref<2x128xi32, #tpu.memory_space<hbm>>
      tpu.enqueue_dma source(%dma_start3A_15 : memref<2x128xi32, #tpu.memory_space<hbm>>) target(%arg11 : memref<2x128xi32, #tpu.memory_space<vmem>>) target_semaphore(%run_scoped3A : memref<!tpu.dma_semaphore, #tpu.memory_space<semaphore_mem>>)
      %dma_wait3A = arith.constant 0 : i32
      %dma_wait3A_16 = tpu.memref_slice %arg2[%mul3A_4, %dma_wait3A] : memref<64x128xi32, #tpu.memory_space<hbm>> -> memref<2x128xi32, #tpu.memory_space<hbm>>
      %dma_wait3A_17 = arith.constant 0 : i32
      %dma_wait3A_18 = tpu.memref_slice %arg2[%mul3A_4, %dma_wait3A_17] : memref<64x128xi32, #tpu.memory_space<hbm>> -> memref<2x128xi32, #tpu.memory_space<hbm>>
      tpu.wait_dma2 semaphore(%run_scoped3A : memref<!tpu.dma_semaphore, #tpu.memory_space<semaphore_mem>>) src(%dma_wait3A_18 : memref<2x128xi32, #tpu.memory_space<hbm>>) dst(%arg11 : memref<2x128xi32, #tpu.memory_space<vmem>>)
      tpu.yield
    }) : () -> ()
    "tpu.region"() ({
      %run_scoped3A = tpu.sem_alloc : memref<!tpu.dma_semaphore, #tpu.memory_space<semaphore_mem>>
      %dma_start3A = arith.constant 0 : i32
      %dma_start3A_13 = tpu.memref_slice %arg3[%mul3A_4, %dma_start3A] : memref<64x128xi32, #tpu.memory_space<hbm>> -> memref<2x128xi32, #tpu.memory_space<hbm>>
      %dma_start3A_14 = arith.constant 0 : i32
      %dma_start3A_15 = tpu.memref_slice %arg3[%mul3A_4, %dma_start3A_14] : memref<64x128xi32, #tpu.memory_space<hbm>> -> memref<2x128xi32, #tpu.memory_space<hbm>>
      tpu.enqueue_dma source(%dma_start3A_15 : memref<2x128xi32, #tpu.memory_space<hbm>>) target(%arg12 : memref<2x128xi32, #tpu.memory_space<vmem>>) target_semaphore(%run_scoped3A : memref<!tpu.dma_semaphore, #tpu.memory_space<semaphore_mem>>)
      %dma_wait3A = arith.constant 0 : i32
      %dma_wait3A_16 = tpu.memref_slice %arg3[%mul3A_4, %dma_wait3A] : memref<64x128xi32, #tpu.memory_space<hbm>> -> memref<2x128xi32, #tpu.memory_space<hbm>>
      %dma_wait3A_17 = arith.constant 0 : i32
      %dma_wait3A_18 = tpu.memref_slice %arg3[%mul3A_4, %dma_wait3A_17] : memref<64x128xi32, #tpu.memory_space<hbm>> -> memref<2x128xi32, #tpu.memory_space<hbm>>
      tpu.wait_dma2 semaphore(%run_scoped3A : memref<!tpu.dma_semaphore, #tpu.memory_space<semaphore_mem>>) src(%dma_wait3A_18 : memref<2x128xi32, #tpu.memory_space<hbm>>) dst(%arg12 : memref<2x128xi32, #tpu.memory_space<vmem>>)
      tpu.yield
    }) : () -> ()
    "tpu.region"() ({
      %run_scoped3A = tpu.sem_alloc : memref<!tpu.dma_semaphore, #tpu.memory_space<semaphore_mem>>
      %dma_start3A = arith.constant 0 : i32
      %dma_start3A_13 = tpu.memref_slice %arg4[%mul3A_7, %dma_start3A] : memref<16x128xi32, #tpu.memory_space<hbm>> -> memref<2x128xi32, #tpu.memory_space<hbm>>
      %dma_start3A_14 = arith.constant 0 : i32
      %dma_start3A_15 = tpu.memref_slice %arg4[%mul3A_7, %dma_start3A_14] : memref<16x128xi32, #tpu.memory_space<hbm>> -> memref<2x128xi32, #tpu.memory_space<hbm>>
      tpu.enqueue_dma source(%dma_start3A_15 : memref<2x128xi32, #tpu.memory_space<hbm>>) target(%arg13 : memref<2x128xi32, #tpu.memory_space<vmem>>) target_semaphore(%run_scoped3A : memref<!tpu.dma_semaphore, #tpu.memory_space<semaphore_mem>>)
      %dma_wait3A = arith.constant 0 : i32
      %dma_wait3A_16 = tpu.memref_slice %arg4[%mul3A_7, %dma_wait3A] : memref<16x128xi32, #tpu.memory_space<hbm>> -> memref<2x128xi32, #tpu.memory_space<hbm>>
      %dma_wait3A_17 = arith.constant 0 : i32
      %dma_wait3A_18 = tpu.memref_slice %arg4[%mul3A_7, %dma_wait3A_17] : memref<16x128xi32, #tpu.memory_space<hbm>> -> memref<2x128xi32, #tpu.memory_space<hbm>>
      tpu.wait_dma2 semaphore(%run_scoped3A : memref<!tpu.dma_semaphore, #tpu.memory_space<semaphore_mem>>) src(%dma_wait3A_18 : memref<2x128xi32, #tpu.memory_space<hbm>>) dst(%arg13 : memref<2x128xi32, #tpu.memory_space<vmem>>)
      tpu.yield
    }) : () -> ()
    "tpu.region"() ({
      %run_scoped3A = tpu.sem_alloc : memref<!tpu.dma_semaphore, #tpu.memory_space<semaphore_mem>>
      tpu.enqueue_dma source(%arg8 : memref<128xf32, #tpu.memory_space<hbm>>) target(%arg17 : memref<128xf32, #tpu.memory_space<vmem>>) target_semaphore(%run_scoped3A : memref<!tpu.dma_semaphore, #tpu.memory_space<semaphore_mem>>)
      tpu.wait_dma2 semaphore(%run_scoped3A : memref<!tpu.dma_semaphore, #tpu.memory_space<semaphore_mem>>) src(%arg8 : memref<128xf32, #tpu.memory_space<hbm>>) dst(%arg17 : memref<128xf32, #tpu.memory_space<vmem>>)
      tpu.yield
    }) : () -> ()
    "tpu.region"() ({
      %run_scoped3A = tpu.sem_alloc : memref<!tpu.dma_semaphore, #tpu.memory_space<semaphore_mem>>
      tpu.enqueue_dma source(%arg9 : memref<128xf32, #tpu.memory_space<hbm>>) target(%arg18 : memref<128xf32, #tpu.memory_space<vmem>>) target_semaphore(%run_scoped3A : memref<!tpu.dma_semaphore, #tpu.memory_space<semaphore_mem>>)
      tpu.wait_dma2 semaphore(%run_scoped3A : memref<!tpu.dma_semaphore, #tpu.memory_space<semaphore_mem>>) src(%arg9 : memref<128xf32, #tpu.memory_space<hbm>>) dst(%arg18 : memref<128xf32, #tpu.memory_space<vmem>>)
      tpu.yield
    }) : () -> ()
    %iota3A = tpu.iota {dimensions = array<i32: 0>} : vector<16xi32>
    %scan3A = arith.constant 0 : i32
    %scan3A_8 = arith.constant 0 : i32
    %scan3A_9 = arith.constant 256 : i32
    %scan3A_10 = arith.addi %scan3A_8, %scan3A_9 : i32
    %scan3A_11 = arith.constant 1 : i32
    scf.for %scan3A_13 = %scan3A_8 to %scan3A_10 step %scan3A_11  : i32 {
      %get3A = arith.index_cast %scan3A_13 : i32 to index
      %get3A_14 = arith.constant 0 : index
      %get3A_15 = tpu.vector_load %arg14[%get3A, %get3A_14] {strides = array<i32>} : memref<256x128xf32, #tpu.memory_space<vmem>>, vector<1x16xf32>,
      %get3A_16 = vector.shape_cast %get3A_15 : vector<1x16xf32> to vector<16xf32>
      %get3A_17 = arith.index_cast %scan3A_13 : i32 to index
      %get3A_18 = arith.constant 0 : index
      %get3A_19 = tpu.vector_load %arg15[%get3A_17, %get3A_18] {strides = array<i32>} : memref<256x128xf32, #tpu.memory_space<vmem>>, vector<1x16xf32>,
      %get3A_20 = vector.shape_cast %get3A_19 : vector<1x16xf32> to vector<16xf32>
      %add3A_21 = arith.addf %get3A_16, %get3A_20 : vector<16xf32>
      %get3A_22 = arith.index_cast %scan3A_13 : i32 to index
      %get3A_23 = arith.constant 0 : index
      %get3A_24 = tpu.vector_load %arg16[%get3A_22, %get3A_23] {strides = array<i32>} : memref<256x128xf32, #tpu.memory_space<vmem>>, vector<1x16xf32>,
      %get3A_25 = vector.shape_cast %get3A_24 : vector<1x16xf32> to vector<16xf32>
      %add3A_26 = arith.addf %add3A_21, %get3A_25 : vector<16xf32>
      %get3A_27 = arith.index_cast %scan3A_13 : i32 to index
      %get3A_28 = arith.constant 16 : index
      %get3A_29 = tpu.vector_load %arg14[%get3A_27, %get3A_28] {strides = array<i32>} : memref<256x128xf32, #tpu.memory_space<vmem>>, vector<1x16xf32>,
      %get3A_30 = vector.shape_cast %get3A_29 : vector<1x16xf32> to vector<16xf32>
      %get3A_31 = arith.index_cast %scan3A_13 : i32 to index
      %get3A_32 = arith.constant 16 : index
      %get3A_33 = tpu.vector_load %arg15[%get3A_31, %get3A_32] {strides = array<i32>} : memref<256x128xf32, #tpu.memory_space<vmem>>, vector<1x16xf32>,
      %get3A_34 = vector.shape_cast %get3A_33 : vector<1x16xf32> to vector<16xf32>
      %add3A_35 = arith.addf %get3A_30, %get3A_34 : vector<16xf32>
      %get3A_36 = arith.index_cast %scan3A_13 : i32 to index
      %get3A_37 = arith.constant 16 : index
      %get3A_38 = tpu.vector_load %arg16[%get3A_36, %get3A_37] {strides = array<i32>} : memref<256x128xf32, #tpu.memory_space<vmem>>, vector<1x16xf32>,
      %get3A_39 = vector.shape_cast %get3A_38 : vector<1x16xf32> to vector<16xf32>
      %add3A_40 = arith.addf %add3A_35, %get3A_39 : vector<16xf32>
      %get3A_41 = arith.index_cast %scan3A_13 : i32 to index
      %get3A_42 = arith.constant 32 : index
      %get3A_43 = tpu.vector_load %arg14[%get3A_41, %get3A_42] {strides = array<i32>} : memref<256x128xf32, #tpu.memory_space<vmem>>, vector<1x16xf32>,
      %get3A_44 = vector.shape_cast %get3A_43 : vector<1x16xf32> to vector<16xf32>
      %get3A_45 = arith.index_cast %scan3A_13 : i32 to index
      %get3A_46 = arith.constant 32 : index
      %get3A_47 = tpu.vector_load %arg15[%get3A_45, %get3A_46] {strides = array<i32>} : memref<256x128xf32, #tpu.memory_space<vmem>>, vector<1x16xf32>,
      %get3A_48 = vector.shape_cast %get3A_47 : vector<1x16xf32> to vector<16xf32>
      %add3A_49 = arith.addf %get3A_44, %get3A_48 : vector<16xf32>
      %get3A_50 = arith.index_cast %scan3A_13 : i32 to index
      %get3A_51 = arith.constant 32 : index
      %get3A_52 = tpu.vector_load %arg16[%get3A_50, %get3A_51] {strides = array<i32>} : memref<256x128xf32, #tpu.memory_space<vmem>>, vector<1x16xf32>,
      %get3A_53 = vector.shape_cast %get3A_52 : vector<1x16xf32> to vector<16xf32>
      %add3A_54 = arith.addf %add3A_49, %get3A_53 : vector<16xf32>
      %get3A_55 = arith.index_cast %scan3A_13 : i32 to index
      %get3A_56 = arith.constant 48 : index
      %get3A_57 = tpu.vector_load %arg14[%get3A_55, %get3A_56] {strides = array<i32>} : memref<256x128xf32, #tpu.memory_space<vmem>>, vector<1x16xf32>,
      %get3A_58 = vector.shape_cast %get3A_57 : vector<1x16xf32> to vector<16xf32>
      %get3A_59 = arith.index_cast %scan3A_13 : i32 to index
      %get3A_60 = arith.constant 48 : index
      %get3A_61 = tpu.vector_load %arg15[%get3A_59, %get3A_60] {strides = array<i32>} : memref<256x128xf32, #tpu.memory_space<vmem>>, vector<1x16xf32>,
      %get3A_62 = vector.shape_cast %get3A_61 : vector<1x16xf32> to vector<16xf32>
      %add3A_63 = arith.addf %get3A_58, %get3A_62 : vector<16xf32>
      %get3A_64 = arith.index_cast %scan3A_13 : i32 to index
      %get3A_65 = arith.constant 48 : index
      %get3A_66 = tpu.vector_load %arg16[%get3A_64, %get3A_65] {strides = array<i32>} : memref<256x128xf32, #tpu.memory_space<vmem>>, vector<1x16xf32>,
      %get3A_67 = vector.shape_cast %get3A_66 : vector<1x16xf32> to vector<16xf32>
      %add3A_68 = arith.addf %add3A_63, %get3A_67 : vector<16xf32>
      %get3A_69 = arith.index_cast %scan3A_13 : i32 to index
      %get3A_70 = arith.constant 64 : index
      %get3A_71 = tpu.vector_load %arg14[%get3A_69, %get3A_70] {strides = array<i32>} : memref<256x128xf32, #tpu.memory_space<vmem>>, vector<1x16xf32>,
      %get3A_72 = vector.shape_cast %get3A_71 : vector<1x16xf32> to vector<16xf32>
      %get3A_73 = arith.index_cast %scan3A_13 : i32 to index
      %get3A_74 = arith.constant 64 : index
      %get3A_75 = tpu.vector_load %arg15[%get3A_73, %get3A_74] {strides = array<i32>} : memref<256x128xf32, #tpu.memory_space<vmem>>, vector<1x16xf32>,
      %get3A_76 = vector.shape_cast %get3A_75 : vector<1x16xf32> to vector<16xf32>
      %add3A_77 = arith.addf %get3A_72, %get3A_76 : vector<16xf32>
      %get3A_78 = arith.index_cast %scan3A_13 : i32 to index
      %get3A_79 = arith.constant 64 : index
      %get3A_80 = tpu.vector_load %arg16[%get3A_78, %get3A_79] {strides = array<i32>} : memref<256x128xf32, #tpu.memory_space<vmem>>, vector<1x16xf32>,
      %get3A_81 = vector.shape_cast %get3A_80 : vector<1x16xf32> to vector<16xf32>
      %add3A_82 = arith.addf %add3A_77, %get3A_81 : vector<16xf32>
      %get3A_83 = arith.index_cast %scan3A_13 : i32 to index
      %get3A_84 = arith.constant 80 : index
      %get3A_85 = tpu.vector_load %arg14[%get3A_83, %get3A_84] {strides = array<i32>} : memref<256x128xf32, #tpu.memory_space<vmem>>, vector<1x16xf32>,
      %get3A_86 = vector.shape_cast %get3A_85 : vector<1x16xf32> to vector<16xf32>
      %get3A_87 = arith.index_cast %scan3A_13 : i32 to index
      %get3A_88 = arith.constant 80 : index
      %get3A_89 = tpu.vector_load %arg15[%get3A_87, %get3A_88] {strides = array<i32>} : memref<256x128xf32, #tpu.memory_space<vmem>>, vector<1x16xf32>,
      %get3A_90 = vector.shape_cast %get3A_89 : vector<1x16xf32> to vector<16xf32>
      %add3A_91 = arith.addf %get3A_86, %get3A_90 : vector<16xf32>
      %get3A_92 = arith.index_cast %scan3A_13 : i32 to index
      %get3A_93 = arith.constant 80 : index
      %get3A_94 = tpu.vector_load %arg16[%get3A_92, %get3A_93] {strides = array<i32>} : memref<256x128xf32, #tpu.memory_space<vmem>>, vector<1x16xf32>,
      %get3A_95 = vector.shape_cast %get3A_94 : vector<1x16xf32> to vector<16xf32>
      %add3A_96 = arith.addf %add3A_91, %get3A_95 : vector<16xf32>
      %get3A_97 = arith.index_cast %scan3A_13 : i32 to index
      %get3A_98 = arith.constant 96 : index
      %get3A_99 = tpu.vector_load %arg14[%get3A_97, %get3A_98] {strides = array<i32>} : memref<256x128xf32, #tpu.memory_space<vmem>>, vector<1x16xf32>,
      %get3A_100 = vector.shape_cast %get3A_99 : vector<1x16xf32> to vector<16xf32>
      %get3A_101 = arith.index_cast %scan3A_13 : i32 to index
      %get3A_102 = arith.constant 96 : index
      %get3A_103 = tpu.vector_load %arg15[%get3A_101, %get3A_102] {strides = array<i32>} : memref<256x128xf32, #tpu.memory_space<vmem>>, vector<1x16xf32>,
      %get3A_104 = vector.shape_cast %get3A_103 : vector<1x16xf32> to vector<16xf32>
      %add3A_105 = arith.addf %get3A_100, %get3A_104 : vector<16xf32>
      %get3A_106 = arith.index_cast %scan3A_13 : i32 to index
      %get3A_107 = arith.constant 96 : index
      %get3A_108 = tpu.vector_load %arg16[%get3A_106, %get3A_107] {strides = array<i32>} : memref<256x128xf32, #tpu.memory_space<vmem>>, vector<1x16xf32>,
      %get3A_109 = vector.shape_cast %get3A_108 : vector<1x16xf32> to vector<16xf32>
      %add3A_110 = arith.addf %add3A_105, %get3A_109 : vector<16xf32>
      %get3A_111 = arith.index_cast %scan3A_13 : i32 to index
      %get3A_112 = arith.constant 112 : index
      %get3A_113 = tpu.vector_load %arg14[%get3A_111, %get3A_112] {strides = array<i32>} : memref<256x128xf32, #tpu.memory_space<vmem>>, vector<1x16xf32>,
      %get3A_114 = vector.shape_cast %get3A_113 : vector<1x16xf32> to vector<16xf32>
      %get3A_115 = arith.index_cast %scan3A_13 : i32 to index
      %get3A_116 = arith.constant 112 : index
      %get3A_117 = tpu.vector_load %arg15[%get3A_115, %get3A_116] {strides = array<i32>} : memref<256x128xf32, #tpu.memory_space<vmem>>, vector<1x16xf32>,
      %get3A_118 = vector.shape_cast %get3A_117 : vector<1x16xf32> to vector<16xf32>
      %add3A_119 = arith.addf %get3A_114, %get3A_118 : vector<16xf32>
      %get3A_120 = arith.index_cast %scan3A_13 : i32 to index
      %get3A_121 = arith.constant 112 : index
      %get3A_122 = tpu.vector_load %arg16[%get3A_120, %get3A_121] {strides = array<i32>} : memref<256x128xf32, #tpu.memory_space<vmem>>, vector<1x16xf32>,
      %get3A_123 = vector.shape_cast %get3A_122 : vector<1x16xf32> to vector<16xf32>
      %add3A_124 = arith.addf %add3A_119, %get3A_123 : vector<16xf32>
      %mul3A_125 = arith.mulf %add3A_26, %add3A_26 : vector<16xf32>
      %add3A_126 = arith.addf %add3A_26, %add3A_40 : vector<16xf32>
      %mul3A_127 = arith.mulf %add3A_40, %add3A_40 : vector<16xf32>
      %add3A_128 = arith.addf %mul3A_125, %mul3A_127 : vector<16xf32>
      %add3A_129 = arith.addf %add3A_126, %add3A_54 : vector<16xf32>
      %mul3A_130 = arith.mulf %add3A_54, %add3A_54 : vector<16xf32>
      %add3A_131 = arith.addf %add3A_128, %mul3A_130 : vector<16xf32>
      %add3A_132 = arith.addf %add3A_129, %add3A_68 : vector<16xf32>
      %mul3A_133 = arith.mulf %add3A_68, %add3A_68 : vector<16xf32>
      %add3A_134 = arith.addf %add3A_131, %mul3A_133 : vector<16xf32>
      %add3A_135 = arith.addf %add3A_132, %add3A_82 : vector<16xf32>
      %mul3A_136 = arith.mulf %add3A_82, %add3A_82 : vector<16xf32>
      %add3A_137 = arith.addf %add3A_134, %mul3A_136 : vector<16xf32>
      %add3A_138 = arith.addf %add3A_135, %add3A_96 : vector<16xf32>
      %mul3A_139 = arith.mulf %add3A_96, %add3A_96 : vector<16xf32>
      %add3A_140 = arith.addf %add3A_137, %mul3A_139 : vector<16xf32>
      %add3A_141 = arith.addf %add3A_138, %add3A_110 : vector<16xf32>
      %mul3A_142 = arith.mulf %add3A_110, %add3A_110 : vector<16xf32>
      %add3A_143 = arith.addf %add3A_140, %mul3A_142 : vector<16xf32>
      %add3A_144 = arith.addf %add3A_141, %add3A_124 : vector<16xf32>
      %mul3A_145 = arith.mulf %add3A_124, %add3A_124 : vector<16xf32>
      %add3A_146 = arith.addf %add3A_143, %mul3A_145 : vector<16xf32>
      %xor3A = arith.constant 1 : i32
      %xor3A_147 = vector.broadcast %xor3A : i32 to vector<16xi32>
      %xor3A_148 = arith.xori %iota3A, %xor3A_147 : vector<16xi32>
      %broadcast_in_dim3A = vector.shape_cast %xor3A_148 : vector<16xi32> to vector<16x1xi32>
      %gather3A = vector.shape_cast %broadcast_in_dim3A : vector<16x1xi32> to vector<16xi32>
      %gather3A_149 = tpu.dynamic_gather %add3A_144[%gather3A] in [0] : vector<16xf32>, vector<16xi32> -> vector<16xf32>
      %add3A_150 = arith.addf %add3A_144, %gather3A_149 : vector<16xf32>
      %xor3A_151 = arith.constant 2 : i32
      %xor3A_152 = vector.broadcast %xor3A_151 : i32 to vector<16xi32>
      %xor3A_153 = arith.xori %iota3A, %xor3A_152 : vector<16xi32>
      %broadcast_in_dim3A_154 = vector.shape_cast %xor3A_153 : vector<16xi32> to vector<16x1xi32>
      %gather3A_155 = vector.shape_cast %broadcast_in_dim3A_154 : vector<16x1xi32> to vector<16xi32>
      %gather3A_156 = tpu.dynamic_gather %add3A_150[%gather3A_155] in [0] : vector<16xf32>, vector<16xi32> -> vector<16xf32>
      %add3A_157 = arith.addf %add3A_150, %gather3A_156 : vector<16xf32>
      %xor3A_158 = arith.constant 4 : i32
      %xor3A_159 = vector.broadcast %xor3A_158 : i32 to vector<16xi32>
      %xor3A_160 = arith.xori %iota3A, %xor3A_159 : vector<16xi32>
      %broadcast_in_dim3A_161 = vector.shape_cast %xor3A_160 : vector<16xi32> to vector<16x1xi32>
      %gather3A_162 = vector.shape_cast %broadcast_in_dim3A_161 : vector<16x1xi32> to vector<16xi32>
      %gather3A_163 = tpu.dynamic_gather %add3A_157[%gather3A_162] in [0] : vector<16xf32>, vector<16xi32> -> vector<16xf32>
      %add3A_164 = arith.addf %add3A_157, %gather3A_163 : vector<16xf32>
      %xor3A_165 = arith.constant 8 : i32
      %xor3A_166 = vector.broadcast %xor3A_165 : i32 to vector<16xi32>
      %xor3A_167 = arith.xori %iota3A, %xor3A_166 : vector<16xi32>
      %broadcast_in_dim3A_168 = vector.shape_cast %xor3A_167 : vector<16xi32> to vector<16x1xi32>
      %gather3A_169 = vector.shape_cast %broadcast_in_dim3A_168 : vector<16x1xi32> to vector<16xi32>
      %gather3A_170 = tpu.dynamic_gather %add3A_164[%gather3A_169] in [0] : vector<16xf32>, vector<16xi32> -> vector<16xf32>
      %add3A_171 = arith.addf %add3A_164, %gather3A_170 : vector<16xf32>
      %mul3A_172 = arith.constant 7.812500e-03 : f32
      %mul3A_173 = vector.broadcast %mul3A_172 : f32 to vector<16xf32>
      %mul3A_174 = arith.mulf %add3A_171, %mul3A_173 : vector<16xf32>
      %xor3A_175 = arith.constant 1 : i32
      %xor3A_176 = vector.broadcast %xor3A_175 : i32 to vector<16xi32>
      %xor3A_177 = arith.xori %iota3A, %xor3A_176 : vector<16xi32>
      %broadcast_in_dim3A_178 = vector.shape_cast %xor3A_177 : vector<16xi32> to vector<16x1xi32>
      %gather3A_179 = vector.shape_cast %broadcast_in_dim3A_178 : vector<16x1xi32> to vector<16xi32>
      %gather3A_180 = tpu.dynamic_gather %add3A_146[%gather3A_179] in [0] : vector<16xf32>, vector<16xi32> -> vector<16xf32>
      %add3A_181 = arith.addf %add3A_146, %gather3A_180 : vector<16xf32>
      %xor3A_182 = arith.constant 2 : i32
      %xor3A_183 = vector.broadcast %xor3A_182 : i32 to vector<16xi32>
      %xor3A_184 = arith.xori %iota3A, %xor3A_183 : vector<16xi32>
      %broadcast_in_dim3A_185 = vector.shape_cast %xor3A_184 : vector<16xi32> to vector<16x1xi32>
      %gather3A_186 = vector.shape_cast %broadcast_in_dim3A_185 : vector<16x1xi32> to vector<16xi32>
      %gather3A_187 = tpu.dynamic_gather %add3A_181[%gather3A_186] in [0] : vector<16xf32>, vector<16xi32> -> vector<16xf32>
      %add3A_188 = arith.addf %add3A_181, %gather3A_187 : vector<16xf32>
      %xor3A_189 = arith.constant 4 : i32
      %xor3A_190 = vector.broadcast %xor3A_189 : i32 to vector<16xi32>
      %xor3A_191 = arith.xori %iota3A, %xor3A_190 : vector<16xi32>
      %broadcast_in_dim3A_192 = vector.shape_cast %xor3A_191 : vector<16xi32> to vector<16x1xi32>
      %gather3A_193 = vector.shape_cast %broadcast_in_dim3A_192 : vector<16x1xi32> to vector<16xi32>
      %gather3A_194 = tpu.dynamic_gather %add3A_188[%gather3A_193] in [0] : vector<16xf32>, vector<16xi32> -> vector<16xf32>
      %add3A_195 = arith.addf %add3A_188, %gather3A_194 : vector<16xf32>
      %xor3A_196 = arith.constant 8 : i32
      %xor3A_197 = vector.broadcast %xor3A_196 : i32 to vector<16xi32>
      %xor3A_198 = arith.xori %iota3A, %xor3A_197 : vector<16xi32>
      %broadcast_in_dim3A_199 = vector.shape_cast %xor3A_198 : vector<16xi32> to vector<16x1xi32>
      %gather3A_200 = vector.shape_cast %broadcast_in_dim3A_199 : vector<16x1xi32> to vector<16xi32>
      %gather3A_201 = tpu.dynamic_gather %add3A_195[%gather3A_200] in [0] : vector<16xf32>, vector<16xi32> -> vector<16xf32>
      %add3A_202 = arith.addf %add3A_195, %gather3A_201 : vector<16xf32>
      %mul3A_203 = arith.constant 7.812500e-03 : f32
      %mul3A_204 = vector.broadcast %mul3A_203 : f32 to vector<16xf32>
      %mul3A_205 = arith.mulf %add3A_202, %mul3A_204 : vector<16xf32>
      %mul3A_206 = arith.mulf %mul3A_174, %mul3A_174 : vector<16xf32>
      %sub3A = arith.subf %mul3A_205, %mul3A_206 : vector<16xf32>
      %add3A_207 = arith.constant 9.99999997E-7 : f32
      %add3A_208 = vector.broadcast %add3A_207 : f32 to vector<16xf32>
      %add3A_209 = arith.addf %sub3A, %add3A_208 : vector<16xf32>
      %bitcast_convert_type3A = tpu.bitcast %add3A_209 : vector<16xf32> -> vector<16xi32>
      %shift_right_arithmetic3A = arith.constant 1 : i32
      %shift_right_arithmetic3A_210 = vector.broadcast %shift_right_arithmetic3A : i32 to vector<16xi32>
      %shift_right_arithmetic3A_211 = arith.shrsi %bitcast_convert_type3A, %shift_right_arithmetic3A_210 : vector<16xi32>
      %sub3A_212 = arith.constant 1597463007 : i32
      %sub3A_213 = vector.broadcast %sub3A_212 : i32 to vector<16xi32>
      %sub3A_214 = arith.subi %sub3A_213, %shift_right_arithmetic3A_211 : vector<16xi32>
      %bitcast_convert_type3A_215 = tpu.bitcast %sub3A_214 : vector<16xi32> -> vector<16xf32>
      %mul3A_216 = arith.constant 5.000000e-01 : f32
      %mul3A_217 = vector.broadcast %mul3A_216 : f32 to vector<16xf32>
      %mul3A_218 = arith.mulf %mul3A_217, %add3A_209 : vector<16xf32>
      %mul3A_219 = arith.mulf %mul3A_218, %bitcast_convert_type3A_215 : vector<16xf32>
      %mul3A_220 = arith.mulf %mul3A_219, %bitcast_convert_type3A_215 : vector<16xf32>
      %sub3A_221 = arith.constant 1.500000e+00 : f32
      %sub3A_222 = vector.broadcast %sub3A_221 : f32 to vector<16xf32>
      %sub3A_223 = arith.subf %sub3A_222, %mul3A_220 : vector<16xf32>
      %mul3A_224 = arith.mulf %bitcast_convert_type3A_215, %sub3A_223 : vector<16xf32>
      %mul3A_225 = arith.constant 5.000000e-01 : f32
      %mul3A_226 = vector.broadcast %mul3A_225 : f32 to vector<16xf32>
      %mul3A_227 = arith.mulf %mul3A_226, %add3A_209 : vector<16xf32>
      %mul3A_228 = arith.mulf %mul3A_227, %mul3A_224 : vector<16xf32>
      %mul3A_229 = arith.mulf %mul3A_228, %mul3A_224 : vector<16xf32>
      %sub3A_230 = arith.constant 1.500000e+00 : f32
      %sub3A_231 = vector.broadcast %sub3A_230 : f32 to vector<16xf32>
      %sub3A_232 = arith.subf %sub3A_231, %mul3A_229 : vector<16xf32>
      %mul3A_233 = arith.mulf %mul3A_224, %sub3A_232 : vector<16xf32>
      %mul3A_234 = arith.constant 5.000000e-01 : f32
      %mul3A_235 = vector.broadcast %mul3A_234 : f32 to vector<16xf32>
      %mul3A_236 = arith.mulf %mul3A_235, %add3A_209 : vector<16xf32>
      %mul3A_237 = arith.mulf %mul3A_236, %mul3A_233 : vector<16xf32>
      %mul3A_238 = arith.mulf %mul3A_237, %mul3A_233 : vector<16xf32>
      %sub3A_239 = arith.constant 1.500000e+00 : f32
      %sub3A_240 = vector.broadcast %sub3A_239 : f32 to vector<16xf32>
      %sub3A_241 = arith.subf %sub3A_240, %mul3A_238 : vector<16xf32>
      %mul3A_242 = arith.mulf %mul3A_233, %sub3A_241 : vector<16xf32>
      %get3A_243 = arith.constant 0 : index
      %get3A_244 = tpu.vector_load %arg17[%get3A_243] {strides = array<i32>} : memref<128xf32, #tpu.memory_space<vmem>>, vector<16xf32>,
      %get3A_245 = vector.shape_cast %get3A_244 : vector<16xf32> to vector<16xf32>
      %get3A_246 = arith.constant 0 : index
      %get3A_247 = tpu.vector_load %arg18[%get3A_246] {strides = array<i32>} : memref<128xf32, #tpu.memory_space<vmem>>, vector<16xf32>,
      %get3A_248 = vector.shape_cast %get3A_247 : vector<16xf32> to vector<16xf32>
      %sub3A_249 = arith.subf %add3A_26, %mul3A_174 : vector<16xf32>
      %mul3A_250 = arith.mulf %sub3A_249, %mul3A_242 : vector<16xf32>
      %mul3A_251 = arith.mulf %mul3A_250, %get3A_245 : vector<16xf32>
      %add3A_252 = arith.addf %mul3A_251, %get3A_248 : vector<16xf32>
      %swap3A = arith.index_cast %scan3A_13 : i32 to index
      %swap3A_253 = arith.constant 0 : index
      %swap3A_254 = tpu.vector_load %arg14[%swap3A, %swap3A_253] {strides = array<i32>} : memref<256x128xf32, #tpu.memory_space<vmem>>, vector<1x16xf32>,
      %swap3A_255 = vector.shape_cast %swap3A_254 : vector<1x16xf32> to vector<16xf32>
      %swap3A_256 = vector.shape_cast %add3A_252 : vector<16xf32> to vector<1x16xf32>
      tpu.vector_store %arg14[%swap3A, %swap3A_253], %swap3A_256 {strides = array<i32>} : memref<256x128xf32, #tpu.memory_space<vmem>>, vector<1x16xf32>,
      %get3A_257 = arith.constant 16 : index
      %get3A_258 = tpu.vector_load %arg17[%get3A_257] {strides = array<i32>} : memref<128xf32, #tpu.memory_space<vmem>>, vector<16xf32>,
      %get3A_259 = vector.shape_cast %get3A_258 : vector<16xf32> to vector<16xf32>
      %get3A_260 = arith.constant 16 : index
      %get3A_261 = tpu.vector_load %arg18[%get3A_260] {strides = array<i32>} : memref<128xf32, #tpu.memory_space<vmem>>, vector<16xf32>,
      %get3A_262 = vector.shape_cast %get3A_261 : vector<16xf32> to vector<16xf32>
      %sub3A_263 = arith.subf %add3A_40, %mul3A_174 : vector<16xf32>
      %mul3A_264 = arith.mulf %sub3A_263, %mul3A_242 : vector<16xf32>
      %mul3A_265 = arith.mulf %mul3A_264, %get3A_259 : vector<16xf32>
      %add3A_266 = arith.addf %mul3A_265, %get3A_262 : vector<16xf32>
      %swap3A_267 = arith.index_cast %scan3A_13 : i32 to index
      %swap3A_268 = arith.constant 16 : index
      %swap3A_269 = tpu.vector_load %arg14[%swap3A_267, %swap3A_268] {strides = array<i32>} : memref<256x128xf32, #tpu.memory_space<vmem>>, vector<1x16xf32>,
      %swap3A_270 = vector.shape_cast %swap3A_269 : vector<1x16xf32> to vector<16xf32>
      %swap3A_271 = vector.shape_cast %add3A_266 : vector<16xf32> to vector<1x16xf32>
      tpu.vector_store %arg14[%swap3A_267, %swap3A_268], %swap3A_271 {strides = array<i32>} : memref<256x128xf32, #tpu.memory_space<vmem>>, vector<1x16xf32>,
      %get3A_272 = arith.constant 32 : index
      %get3A_273 = tpu.vector_load %arg17[%get3A_272] {strides = array<i32>} : memref<128xf32, #tpu.memory_space<vmem>>, vector<16xf32>,
      %get3A_274 = vector.shape_cast %get3A_273 : vector<16xf32> to vector<16xf32>
      %get3A_275 = arith.constant 32 : index
      %get3A_276 = tpu.vector_load %arg18[%get3A_275] {strides = array<i32>} : memref<128xf32, #tpu.memory_space<vmem>>, vector<16xf32>,
      %get3A_277 = vector.shape_cast %get3A_276 : vector<16xf32> to vector<16xf32>
      %sub3A_278 = arith.subf %add3A_54, %mul3A_174 : vector<16xf32>
      %mul3A_279 = arith.mulf %sub3A_278, %mul3A_242 : vector<16xf32>
      %mul3A_280 = arith.mulf %mul3A_279, %get3A_274 : vector<16xf32>
      %add3A_281 = arith.addf %mul3A_280, %get3A_277 : vector<16xf32>
      %swap3A_282 = arith.index_cast %scan3A_13 : i32 to index
      %swap3A_283 = arith.constant 32 : index
      %swap3A_284 = tpu.vector_load %arg14[%swap3A_282, %swap3A_283] {strides = array<i32>} : memref<256x128xf32, #tpu.memory_space<vmem>>, vector<1x16xf32>,
      %swap3A_285 = vector.shape_cast %swap3A_284 : vector<1x16xf32> to vector<16xf32>
      %swap3A_286 = vector.shape_cast %add3A_281 : vector<16xf32> to vector<1x16xf32>
      tpu.vector_store %arg14[%swap3A_282, %swap3A_283], %swap3A_286 {strides = array<i32>} : memref<256x128xf32, #tpu.memory_space<vmem>>, vector<1x16xf32>,
      %get3A_287 = arith.constant 48 : index
      %get3A_288 = tpu.vector_load %arg17[%get3A_287] {strides = array<i32>} : memref<128xf32, #tpu.memory_space<vmem>>, vector<16xf32>,
      %get3A_289 = vector.shape_cast %get3A_288 : vector<16xf32> to vector<16xf32>
      %get3A_290 = arith.constant 48 : index
      %get3A_291 = tpu.vector_load %arg18[%get3A_290] {strides = array<i32>} : memref<128xf32, #tpu.memory_space<vmem>>, vector<16xf32>,
      %get3A_292 = vector.shape_cast %get3A_291 : vector<16xf32> to vector<16xf32>
      %sub3A_293 = arith.subf %add3A_68, %mul3A_174 : vector<16xf32>
      %mul3A_294 = arith.mulf %sub3A_293, %mul3A_242 : vector<16xf32>
      %mul3A_295 = arith.mulf %mul3A_294, %get3A_289 : vector<16xf32>
      %add3A_296 = arith.addf %mul3A_295, %get3A_292 : vector<16xf32>
      %swap3A_297 = arith.index_cast %scan3A_13 : i32 to index
      %swap3A_298 = arith.constant 48 : index
      %swap3A_299 = tpu.vector_load %arg14[%swap3A_297, %swap3A_298] {strides = array<i32>} : memref<256x128xf32, #tpu.memory_space<vmem>>, vector<1x16xf32>,
      %swap3A_300 = vector.shape_cast %swap3A_299 : vector<1x16xf32> to vector<16xf32>
      %swap3A_301 = vector.shape_cast %add3A_296 : vector<16xf32> to vector<1x16xf32>
      tpu.vector_store %arg14[%swap3A_297, %swap3A_298], %swap3A_301 {strides = array<i32>} : memref<256x128xf32, #tpu.memory_space<vmem>>, vector<1x16xf32>,
      %get3A_302 = arith.constant 64 : index
      %get3A_303 = tpu.vector_load %arg17[%get3A_302] {strides = array<i32>} : memref<128xf32, #tpu.memory_space<vmem>>, vector<16xf32>,
      %get3A_304 = vector.shape_cast %get3A_303 : vector<16xf32> to vector<16xf32>
      %get3A_305 = arith.constant 64 : index
      %get3A_306 = tpu.vector_load %arg18[%get3A_305] {strides = array<i32>} : memref<128xf32, #tpu.memory_space<vmem>>, vector<16xf32>,
      %get3A_307 = vector.shape_cast %get3A_306 : vector<16xf32> to vector<16xf32>
      %sub3A_308 = arith.subf %add3A_82, %mul3A_174 : vector<16xf32>
      %mul3A_309 = arith.mulf %sub3A_308, %mul3A_242 : vector<16xf32>
      %mul3A_310 = arith.mulf %mul3A_309, %get3A_304 : vector<16xf32>
      %add3A_311 = arith.addf %mul3A_310, %get3A_307 : vector<16xf32>
      %swap3A_312 = arith.index_cast %scan3A_13 : i32 to index
      %swap3A_313 = arith.constant 64 : index
      %swap3A_314 = tpu.vector_load %arg14[%swap3A_312, %swap3A_313] {strides = array<i32>} : memref<256x128xf32, #tpu.memory_space<vmem>>, vector<1x16xf32>,
      %swap3A_315 = vector.shape_cast %swap3A_314 : vector<1x16xf32> to vector<16xf32>
      %swap3A_316 = vector.shape_cast %add3A_311 : vector<16xf32> to vector<1x16xf32>
      tpu.vector_store %arg14[%swap3A_312, %swap3A_313], %swap3A_316 {strides = array<i32>} : memref<256x128xf32, #tpu.memory_space<vmem>>, vector<1x16xf32>,
      %get3A_317 = arith.constant 80 : index
      %get3A_318 = tpu.vector_load %arg17[%get3A_317] {strides = array<i32>} : memref<128xf32, #tpu.memory_space<vmem>>, vector<16xf32>,
      %get3A_319 = vector.shape_cast %get3A_318 : vector<16xf32> to vector<16xf32>
      %get3A_320 = arith.constant 80 : index
      %get3A_321 = tpu.vector_load %arg18[%get3A_320] {strides = array<i32>} : memref<128xf32, #tpu.memory_space<vmem>>, vector<16xf32>,
      %get3A_322 = vector.shape_cast %get3A_321 : vector<16xf32> to vector<16xf32>
      %sub3A_323 = arith.subf %add3A_96, %mul3A_174 : vector<16xf32>
      %mul3A_324 = arith.mulf %sub3A_323, %mul3A_242 : vector<16xf32>
      %mul3A_325 = arith.mulf %mul3A_324, %get3A_319 : vector<16xf32>
      %add3A_326 = arith.addf %mul3A_325, %get3A_322 : vector<16xf32>
      %swap3A_327 = arith.index_cast %scan3A_13 : i32 to index
      %swap3A_328 = arith.constant 80 : index
      %swap3A_329 = tpu.vector_load %arg14[%swap3A_327, %swap3A_328] {strides = array<i32>} : memref<256x128xf32, #tpu.memory_space<vmem>>, vector<1x16xf32>,
      %swap3A_330 = vector.shape_cast %swap3A_329 : vector<1x16xf32> to vector<16xf32>
      %swap3A_331 = vector.shape_cast %add3A_326 : vector<16xf32> to vector<1x16xf32>
      tpu.vector_store %arg14[%swap3A_327, %swap3A_328], %swap3A_331 {strides = array<i32>} : memref<256x128xf32, #tpu.memory_space<vmem>>, vector<1x16xf32>,
      %get3A_332 = arith.constant 96 : index
      %get3A_333 = tpu.vector_load %arg17[%get3A_332] {strides = array<i32>} : memref<128xf32, #tpu.memory_space<vmem>>, vector<16xf32>,
      %get3A_334 = vector.shape_cast %get3A_333 : vector<16xf32> to vector<16xf32>
      %get3A_335 = arith.constant 96 : index
      %get3A_336 = tpu.vector_load %arg18[%get3A_335] {strides = array<i32>} : memref<128xf32, #tpu.memory_space<vmem>>, vector<16xf32>,
      %get3A_337 = vector.shape_cast %get3A_336 : vector<16xf32> to vector<16xf32>
      %sub3A_338 = arith.subf %add3A_110, %mul3A_174 : vector<16xf32>
      %mul3A_339 = arith.mulf %sub3A_338, %mul3A_242 : vector<16xf32>
      %mul3A_340 = arith.mulf %mul3A_339, %get3A_334 : vector<16xf32>
      %add3A_341 = arith.addf %mul3A_340, %get3A_337 : vector<16xf32>
      %swap3A_342 = arith.index_cast %scan3A_13 : i32 to index
      %swap3A_343 = arith.constant 96 : index
      %swap3A_344 = tpu.vector_load %arg14[%swap3A_342, %swap3A_343] {strides = array<i32>} : memref<256x128xf32, #tpu.memory_space<vmem>>, vector<1x16xf32>,
      %swap3A_345 = vector.shape_cast %swap3A_344 : vector<1x16xf32> to vector<16xf32>
      %swap3A_346 = vector.shape_cast %add3A_341 : vector<16xf32> to vector<1x16xf32>
      tpu.vector_store %arg14[%swap3A_342, %swap3A_343], %swap3A_346 {strides = array<i32>} : memref<256x128xf32, #tpu.memory_space<vmem>>, vector<1x16xf32>,
      %get3A_347 = arith.constant 112 : index
      %get3A_348 = tpu.vector_load %arg17[%get3A_347] {strides = array<i32>} : memref<128xf32, #tpu.memory_space<vmem>>, vector<16xf32>,
      %get3A_349 = vector.shape_cast %get3A_348 : vector<16xf32> to vector<16xf32>
      %get3A_350 = arith.constant 112 : index
      %get3A_351 = tpu.vector_load %arg18[%get3A_350] {strides = array<i32>} : memref<128xf32, #tpu.memory_space<vmem>>, vector<16xf32>,
      %get3A_352 = vector.shape_cast %get3A_351 : vector<16xf32> to vector<16xf32>
      %sub3A_353 = arith.subf %add3A_124, %mul3A_174 : vector<16xf32>
      %mul3A_354 = arith.mulf %sub3A_353, %mul3A_242 : vector<16xf32>
      %mul3A_355 = arith.mulf %mul3A_354, %get3A_349 : vector<16xf32>
      %add3A_356 = arith.addf %mul3A_355, %get3A_352 : vector<16xf32>
      %swap3A_357 = arith.index_cast %scan3A_13 : i32 to index
      %swap3A_358 = arith.constant 112 : index
      %swap3A_359 = tpu.vector_load %arg14[%swap3A_357, %swap3A_358] {strides = array<i32>} : memref<256x128xf32, #tpu.memory_space<vmem>>, vector<1x16xf32>,
      %swap3A_360 = vector.shape_cast %swap3A_359 : vector<1x16xf32> to vector<16xf32>
      %swap3A_361 = vector.shape_cast %add3A_356 : vector<16xf32> to vector<1x16xf32>
      tpu.vector_store %arg14[%swap3A_357, %swap3A_358], %swap3A_361 {strides = array<i32>} : memref<256x128xf32, #tpu.memory_space<vmem>>, vector<1x16xf32>,
    }
    %scan3A_12 = arith.constant 256 : i32
    "tpu.region"() ({
      %run_scoped3A = tpu.sem_alloc : memref<!tpu.dma_semaphore, #tpu.memory_space<semaphore_mem>>
      %dma_start3A = arith.constant 0 : i32
      %dma_start3A_13 = tpu.memref_slice %arg10[%mul3A_2, %dma_start3A] : memref<8192x128xf32, #tpu.memory_space<hbm>> -> memref<256x128xf32, #tpu.memory_space<hbm>>
      %dma_start3A_14 = arith.constant 0 : i32
      %dma_start3A_15 = tpu.memref_slice %arg10[%mul3A_2, %dma_start3A_14] : memref<8192x128xf32, #tpu.memory_space<hbm>> -> memref<256x128xf32, #tpu.memory_space<hbm>>
      tpu.enqueue_dma source(%arg14 : memref<256x128xf32, #tpu.memory_space<vmem>>) target(%dma_start3A_15 : memref<256x128xf32, #tpu.memory_space<hbm>>) target_semaphore(%run_scoped3A : memref<!tpu.dma_semaphore, #tpu.memory_space<semaphore_mem>>)
      %dma_wait3A = arith.constant 0 : i32
      %dma_wait3A_16 = tpu.memref_slice %arg10[%mul3A_2, %dma_wait3A] : memref<8192x128xf32, #tpu.memory_space<hbm>> -> memref<256x128xf32, #tpu.memory_space<hbm>>
      %dma_wait3A_17 = arith.constant 0 : i32
      %dma_wait3A_18 = tpu.memref_slice %arg10[%mul3A_2, %dma_wait3A_17] : memref<8192x128xf32, #tpu.memory_space<hbm>> -> memref<256x128xf32, #tpu.memory_space<hbm>>
      tpu.wait_dma2 semaphore(%run_scoped3A : memref<!tpu.dma_semaphore, #tpu.memory_space<semaphore_mem>>) src(%arg14 : memref<256x128xf32, #tpu.memory_space<vmem>>) dst(%dma_wait3A_18 : memref<256x128xf32, #tpu.memory_space<hbm>>)
      tpu.yield
    }) : () -> ()
    return
  }
}

</mosaic_0001>

<sc_bundles>
// kernel: kernel.3.cloned.1.call-start
scs
__scs_entry_jumppad:
0x0: {  	(pc) =	sbr.rel $0x88, $3  }
0x1: {  	(tag) =	ssettag $0x0;
	lr =	simm.s32 $0x1  }
0x2: {  	[smem:$0x3F99] =	sst lr;
	_ =	strace $0xD0000000  }
0x3: {  	_ = 	snop  }
0x4: {  	_ = 	snop  }
0x5: {  	_ = 	snop  }
0x6: {  	_ = 	snop  }
0x7: {  	_ = 	snop  }
__scs_overlays_trampoline_lowered:
0x8: {  	[smem:$0x3FA8] =	sst s0  }
0x9: {  	[smem:$0x3FA9] =	sst s1  }
0xa: {  	[smem:$0x3FAA] =	sst s2  }
0xb: {  	[smem:$0x3FAB] =	sst s3  }
0xc: {  	[smem:$0x3FAC] =	sst s4  }
0xd: {  	[smem:$0x3FAD] =	sst s5  }
0xe: {  	[smem:$0x3FAE] =	sst s6  }
0xf: {  	[smem:$0x3FAF] =	sst s7  }
0x10: {  	[smem:$0x3FB0] =	sst s8  }
0x11: {  	[smem:$0x3FB1] =	sst s9;
	s0 =	simm.s32 @!p0 $0x0  }
0x12: {  	s1 =	sld [smem:$0x3F97];
	s0 =	simm.s32 @p0 $0x1  }
0x13: {  	[smem:$0x3FB2] =	sst s0;
	s0 =	simm.s32 @!p1 $0x0  }
0x14: {  	s2 =	sld [smem:$0x3F96];
	s0 =	simm.s32 @p1 $0x1  }
0x15: {  	[smem:$0x3FB3] =	sst s0;
	s0 =	simm.s32 @!p2 $0x0  }
0x16: {  	s3 =	sld [smem:$0x3FDB];
	s0 =	simm.s32 @p2 $0x1  }
0x17: {  	s4 =	simm.s32 $0x1BF5;
	[smem:$0x3FB5] =	sst s0  }
0x18: {  	s0 =	sld [smem:$0x3F98];
	_ =	swait.ge [sflag:s4], $0x0  }
0x19: {  	s7 =	sld [smem:$0x3F99]  }
0x1a: {  	s8 =	sadd.s32 $0xFFFFE003, lr  }
0x1b: {  	s9 =	sadd.s32 $0xFFFFFEF7, lr;
	s5 =	simm.s32 $0xFFFFFFFF;
	p2 =	slt.u32 s8, $0xFFFFF086  }
0x1c: {  	p1 =	slt.u32 s9, $0xF7A;
	s5 =	simm.s32 @!p2 $0x0  }
0x1d: {  	s5 =	simm.s32 @p1 $0x1;
	p0 =	seq.s32 s7, s2  }
0x1e: {  	s7 =	smul.u32 @!p0 $0xF7A, s2;
	p2 =	seq.s32 @!p0 s5, $0x0  }
0x1f: {  	s9 =	smul.u32 $0xF7A, s1;
	s8 =	simm.s32 @!p0 $0x1BF5;
	p2 =	por !p2, p0  }
0x20: {  	[sflag:s8] =	ssyncset.s32 @!p0 $0xFFFFF086;
	s6 =	sadd.s32 @!p0 s3, s7;
	s7 =	simm.s32 @!p0 $0x108  }
0x21: {  	s3 =	sadd.s32 s3, s9;
	s6 =	sadd.s32 @!p0 $0x88, s6;
	s7 =	simm.s32 @p2 $0x1082  }
0x22: {  	[simem:s7], [sflag:s8] =	dma.local @!p0 [hbm:s6], $0xF7A  }
0x23: {  	s9 =	sor.u32 $0xD0000000, s2;
	s6 =	simm.s32 $0x108;
	_ =	swait.ge @!p0 [sflag:s8], $0x0  }
0x24: {  	s3 =	sadd.s32 $0x88, s3;
	s6 =	simm.s32 @!p1 $0x1082;
	[sflag:s4] =	ssyncset.s32 $0xFFFFF086  }
0x25: {  	[simem:s6], [sflag:s4] =	dma.local [hbm:s3], $0xF7A  }
0x26: {  	[smem:$0x3F99] =	sst s1;
	(tag) =	ssettag s2;
	_ =	strace s9  }
0x27: {  	s1 =	sld [smem:$0x3FA9]  }
0x28: {  	s2 =	sld [smem:$0x3FAA]  }
0x29: {  	s4 =	sld [smem:$0x3FAC]  }
0x2a: {  	p0 =	seq.s32 s5, $0x0;
	s5 =	sld [smem:$0x3FAD]  }
0x2b: {  	s6 =	sld [smem:$0x3FAE]  }
0x2c: {  	s7 =	sld [smem:$0x3FAF]  }
0x2d: {  	s3 =	simm.s32 $0x108;
	s8 =	sld [smem:$0x3FB0]  }
0x2e: {  	s3 =	simm.s32 @!p0 $0x1082;
	s9 =	sld [smem:$0x3FB1]  }
0x2f: {  	lr =	sadd.s32 s0, s3;
	s0 =	sld [smem:$0x3FA8]  }
0x30: {  	s3 =	sld [smem:$0x3FAB]  }
0x31: {  	[smem:$0x3FB4] =	sst s10  }
0x32: {  	s10 =	sld [smem:$0x3FB2];
	_ =	sdelay $0x3  }
0x33: {  	p0 =	seq.s32 s10, $0x1;
	s10 =	sld [smem:$0x3FB4];
	_ =	sdelay $0x3  }
0x34: {  	[smem:$0x3FB4] =	sst s10  }
0x35: {  	s10 =	sld [smem:$0x3FB3];
	_ =	sdelay $0x3  }
0x36: {  	p1 =	seq.s32 s10, $0x1;
	s10 =	sld [smem:$0x3FB4];
	_ =	sdelay $0x3  }
0x37: {  	[smem:$0x3FB4] =	sst s10  }
0x38: {  	s10 =	sld [smem:$0x3FB5]  }
0x39: {  	_ = 	snop;
	(pc) =	sbr.ind lr, $3  }
0x3a: {  	_ = 	snop  }
0x3b: {  	_ = 	snop  }
0x3c: {  	p2 =	seq.s32 s10, $0x1;
	s10 =	sld [smem:$0x3FB4]  }
0x3d: {  	_ =	shalt  }
0x3e: {  	_ =	shalt  }
0x3f: {  	_ =	shalt  }
0x40: {  	_ =	shalt  }
0x41: {  	_ =	shalt  }
0x42: {  	_ =	shalt  }
0x43: {  	_ =	shalt  }
0x44: {  	_ =	shalt  }
0x45: {  	_ =	shalt  }
0x46: {  	_ =	shalt  }
0x47: {  	_ =	shalt  }
0x48: {  	_ =	shalt  }
0x49: {  	_ =	shalt  }
0x4a: {  	_ =	shalt  }
0x4b: {  	_ =	shalt  }
0x4c: {  	_ =	shalt  }
0x4d: {  	_ =	shalt  }
0x4e: {  	_ =	shalt  }
0x4f: {  	_ =	shalt  }
0x50: {  	_ =	shalt  }
0x51: {  	_ =	shalt  }
0x52: {  	_ =	shalt  }
0x53: {  	_ =	shalt  }
0x54: {  	_ =	shalt  }
0x55: {  	_ =	shalt  }
0x56: {  	_ =	shalt  }
0x57: {  	_ =	shalt  }
0x58: {  	_ =	shalt  }
0x59: {  	_ =	shalt  }
0x5a: {  	_ =	shalt  }
0x5b: {  	_ =	shalt  }
0x5c: {  	_ =	shalt  }
0x5d: {  	_ =	shalt  }
0x5e: {  	_ =	shalt  }
0x5f: {  	_ =	shalt  }
0x60: {  	_ =	shalt  }
0x61: {  	_ =	shalt  }
0x62: {  	_ =	shalt  }
0x63: {  	_ =	shalt  }
0x64: {  	_ =	shalt  }
0x65: {  	_ =	shalt  }
0x66: {  	_ =	shalt  }
0x67: {  	_ =	shalt  }
0x68: {  	_ =	shalt  }
0x69: {  	_ =	shalt  }
0x6a: {  	_ =	shalt  }
0x6b: {  	_ =	shalt  }
0x6c: {  	_ =	shalt  }
0x6d: {  	_ =	shalt  }
0x6e: {  	_ =	shalt  }
0x6f: {  	_ =	shalt  }
0x70: {  	_ =	shalt  }
0x71: {  	_ =	shalt  }
0x72: {  	_ =	shalt  }
0x73: {  	_ =	shalt  }
0x74: {  	_ =	shalt  }
0x75: {  	_ =	shalt  }
0x76: {  	_ =	shalt  }
0x77: {  	_ =	shalt  }
0x78: {  	_ =	shalt  }
0x79: {  	_ =	shalt  }
0x7a: {  	_ =	shalt  }
0x7b: {  	_ =	shalt  }
0x7c: {  	_ =	shalt  }
0x7d: {  	_ =	shalt  }
0x7e: {  	_ =	shalt  }
0x7f: {  	_ =	shalt  }
0x80: {  	_ =	shalt  }
0x81: {  	_ =	shalt  }
0x82: {  	_ =	shalt  }
0x83: {  	_ =	shalt  }
0x84: {  	_ =	shalt  }
0x85: {  	_ =	shalt  }
0x86: {  	_ =	shalt  }
0x87: {  	_ =	shalt  }
.Lfunc_end0:
.L_simem_size_0:
called_computation_lowered:
.L_overlay_start_0:
0x88: {  	s2 =	sld [smem:$0x3FD9]  }
0x89: {  	s3 =	sld [smem:$0x3FFE];
	_ =	sdelay $0x1  }
0x8a: {  	s1 =	srdreg.scid  }
0x8b: {  	s0 =	sand.u32 $0x1, s1  }
0x8c: {  	s17 =	sshll.u32 s0, $0xA;
	s2 =	sadd.s32 s3, s2  }
0x8d: {  	s2 =	sadd.s32 s2, s17  }
0x8e: {  	[smem:$0x3FC0] =	sst s2  }
0x8f: {  	_ = 	snop  }
0x90: {  	s2 =	sld [smem:$0x3FC7]  }
0x91: {  	s18 =	sld [smem:$0x3FC3]  }
0x92: {  	s4 =	sld [smem:$0x3FC2]  }
0x93: {  	s5 =	sld [smem:$0x3FD0];
	(tm) =	ssettm $0x1  }
0x94: {  	s6 =	sld [smem:$0x3FFB];
	_ =	sdelay $0x3  }
0x95: {  	_ =	strace s6  }
0x96: {  	s6 =	sld [smem:$0x3FFC];
	_ =	sdelay $0x3  }
0x97: {  	_ =	strace s6  }
0x98: {  	s6 =	sld [smem:$0x3FFD];
	_ =	sdelay $0x3  }
0x99: {  	_ =	strace s6  }
0x9a: {  	_ =	strace $0x8FFFFFFF  }
0x9b: {  	s19 =	sld [smem:$0x3FDB];
	_ =	sdelay $0x1  }
0x9c: {  	s7 =	simm.s32 $_scs_section_size  }
0x9d: {  	s8 =	simm.s32 $_size__tile_overlayer_lowered;
	s9 =	simm.s32 $_tile_overlayer_lowered  }
0x9e: {  	s22 =	simm.s32 $0x1BFF;
	s21 =	sshll.u32 s9, $0x1;
	s6 =	sadd.s32 s7, s19  }
0x9f: {  	s10 =	simm.s32 $0x0;
	s20 =	sshll.u32 s8, $0x1;
	s8 =	sadd.s32 s21, s6  }
0xa0: {  	[timem:s10], [sflag:s22] =	dma.local [hbm:s8], s20  }
0xa1: {  	_ =	swait.ge [sflag:s22], s20  }
0xa2: {  	s7 =	ssub.s32 $0x0, s20;
	[sflag:s22] =	ssyncset.done $0x0  }
0xa3: {  	[sflag:s22] =	ssyncadd.s32 s7;
	_ =	sdelay $0x1  }
0xa4: {  	s23 =	simm.s32 $0x1B8B  }
0xa5: {  	_ =	swait.ge [sflag:s23], $0x1  }
0xa6: {  	[sflag:s23] =	ssyncset.done $0x0  }
0xa7: {  	s25 =	simm.s32 $0x1B8E;
	s24 =	sld [smem:$0x3FFE];
	[sflag:s23] =	ssyncadd.s32 $0xFFFFFFFF  }
0xa8: {  	s26 =	simm.s32 $execute0_lowered;
	[smem:$0x3FD2] =	sst s25  }
0xa9: {  	s8 =	sshll.u32 s26, $0x1;
	_ =	strace $0x80000046;
	[dreg:$0x1] =	wrdreg $0xFFFFFFFF  }
0xaa: {  	s28 =	simm.s32 $_size_execute0_lowered;
	s6 =	sadd.s32 s6, s8;
	[dreg:$0x0] =	wrdreg $0x0  }
0xab: {  	s8 =	sshll.u32 s28, $0x1;
	[dreg:$0x2] =	wrdreg s6  }
0xac: {  	[dreg:$0x3] =	wrdreg s8  }
0xad: {  	[dreg:$0x4] =	wrdreg $0xC0  }
0xae: {  	_ =	task [dreg:s10], $0x5FFFF  }
0xaf: {  	[dreg:$0x1] =	wrdreg $0xFFFFFFFF  }
0xb0: {  	[dreg:$0x0] =	wrdreg $0x60  }
0xb1: {  	[dreg:$0x2] =	wrdreg s24  }
0xb2: {  	[dreg:$0x3] =	wrdreg s2  }
0xb3: {  	[dreg:$0x4] =	wrdreg s18  }
0xb4: {  	[dreg:$0x5] =	wrdreg s4  }
0xb5: {  	[dreg:$0x6] =	wrdreg s5  }
0xb6: {  	[dreg:$0x7] =	wrdreg $0x9  }
0xb7: {  	_ =	task.clear_ibuf [dreg:s10], $0x8FFFF;
	_ =	strace $0x90000046  }
0xb8: {  	s29 =	simm.s32 $0x9;
	_ =	strace $0x80000048  }
0xb9: {  	_ =	swait.ge [sflag:s29], $0x1  }
0xba: {  	[sflag:s29] =	ssyncadd.s32 $0xFFFFFFFF  }
0xbb: {  	_ =	strace $0x90000048  }
0xbc: {  	_ =	sfence  }
0xbd: {  	s30 =	sld [smem:$0x0];
	_ =	sdelay $0x2  }
0xbe: {  	s31 =	sshll.u32 s1, $0xD;
	s1 =	sshrl.u32 s1, $0x2  }
0xbf: {  	s3 =	sand.u32 $0x4000, s31;
	s1 =	sadd.s32 s1, s30  }
0xc0: {  	s0 =	sor.u32 s3, s0;
	s1 =	sshll.u32 s1, $0x11  }
0xc1: {  	s0 =	sor.u32 s1, s0  }
0xc2: {  	s0 =	sadd.s32 $0x8F2B, s0  }
0xc3: {  	[sflag:s0] =	ssyncadd.remote.s32 $0x1  }
0xc4: {  	_ =	sfence.sel $0xFFFF  }
0xc5: {  	[dreg:$0x0] =	wrdreg $0xFFFFFFFF;
	(pc) =	sbr.abs _section_cstart, $3  }
0xc6: {  	[dreg:$0x1] =	wrdreg $0xFFFFFFFF  }
0xc7: {  	_ =	task.clear_ibuf [dreg:s10], $0x2FFFF;
	_ =	strace $0x9FFFFFFF  }
0xc8: {  	(tm) =	ssettm $0x7FFFFFFF  }
0xc9: {  	_ =	shalt  }
tec
execute0_lowered:
.L_overlay_start_1:
0x0: {  	(tag) =	ssettag $0x1  }
0x1: {  	s5 =	rddreg [dreg:$0x0]  }
0x2: {  	s7 =	rddreg [dreg:$0x1]  }
0x3: {  	v0 =	vimm.s32 $0xEFCDAB89;
	s0 =	rddreg [dreg:$0x2]  }
0x4: {  	v1 =	vimm.s32 $0x67452301;
	v2 =	vimm.s32 $0xDCFE98BA;
	s2 =	rddreg [dreg:$0x3];
	v3 =	vimm.s32 $0x54761032  }
0x5: {  	s3 =	srdreg.scid;
	s1 =	stileid.u32;
	v4 =	vimm.s32 $0xBA98FEDC;
	v5 =	vimm.s32 $0x32107654;
	v6 =	vimm.s32 $0xFEDCBA98  }
0x6: {  	s8 =	rddreg [dreg:$0x4];
	s4 =	simm.s32 $0x0;
	v7 =	vimm.s32 $0x76543210;
	s13 =	simm.s32 $0x18300;
	v0 =	vunpack.c.l.s4.s8 v0;
	v1 =	vunpack.c.l.s4.s8 v1  }
0x7: {  	s14 =	simm.s32 $0x18380;
	s15 =	simm.s32 $0x300;
	s16 =	simm.s32 $0x0;
	v2 =	vunpack.c.l.s4.s8 v2;
	v3 =	vunpack.c.l.s4.s8 v3;
	v4 =	vunpack.c.l.s4.s8 v4  }
0x8: {  	s6 =	sand.u32 $0x1, s3;
	s9 =	sshll.u32 s1, $0x1;
	s3 =	rddreg [dreg:$0x5];
	v5 =	vunpack.c.l.s4.s8 v5;
	v6 =	vunpack.c.l.s4.s8 v6;
	v7 =	vunpack.c.l.s4.s8 v7  }
0x9: {  	[smem:$0x7FF] =	sst s4;
	s9 =	sor.u32 s6, s9;
	s6 =	ssub.s32 $0x2, s6;
	v0 =	vunpack.c.0.s8.s32 v0;
	v1 =	vunpack.c.0.s8.s32 v1;
	v2 =	vunpack.c.0.s8.s32 v2  }
0xa: {  	_ =	strace $0x80000047;
	s10 =	sshll.u32 s9, $0x5;
	s31 =	sshrl.u32 s6, $0x1;
	v3 =	vunpack.c.0.s8.s32 v3;
	v4 =	vunpack.c.0.s8.s32 v4;
	v5 =	vunpack.c.0.s8.s32 v5  }
0xb: {  	s9 =	sshll.u32 s9, $0xC;
	s11 =	sadd.s32 s10, s5;
	s12 =	ssub.s32 s6, s31;
	v0 =	vcombine.low v1, v0;
	v1 =	vunpack.c.0.s8.s32 v6  }
0xc: {  	s10 =	sand.u32 $0xE0, s10;
	s8 =	sadd.s32 s8, s9;
	s5 =	sadd.s32 $0x400, s11;
	v2 =	vcombine.low v3, v2;
	v3 =	vcombine.low v5, v4;
	v4 =	vunpack.c.0.s8.s32 v7  }
0xd: {  	s6 =	sadd.s32 $0x800, s11;
	s7 =	sadd.s32 s7, s10;
	s9 =	smax.u32 s12, $0x1;
	v0 =	vand.u32 $0xF, v0;
	v5 =	vand.u32 $0xF, v1  }
0xe: {  	s10 =	simm.s32 $0x1;
	s11 =	simm.s32 $0x100;
	s12 =	simm.s32 $0x200;
	v1 =	vand.u32 $0xF, v2;
	v2 =	vand.u32 $0xF, v3;
	v3 =	vcombine.low v5, v4  }
.LBB2_1:
0xf: {  	[tilespmem:s4], [sflag:$0x1] =	stream.linear.gather [hbm4b:s5+s4], $0x100, $0x38;
	[tilespmem:$0x18400] =	vst v63  }
0x10: {  	_ =	swait.ge [sflag:s10], $0x100  }
0x11: {  	[sflag:s10] =	ssyncset.done $0x0  }
0x12: {  	[sflag:s10] =	ssyncadd.s32 $0xFFFFFF00  }
0x13: {  	[tilespmem:s11], [sflag:$0x1] =	stream.linear.gather [hbm4b:s6+s4], $0x100, $0x38;
	[tilespmem:$0x18400] =	vst v63  }
0x14: {  	_ =	swait.ge [sflag:s10], $0x100  }
0x15: {  	[sflag:s10] =	ssyncset.done $0x0  }
0x16: {  	[sflag:s10] =	ssyncadd.s32 $0xFFFFFF00  }
0x17: {  	[tilespmem:s12], [sflag:$0x1] =	stream.linear.gather [hbm4b:s7+s4], $0x100, $0x38;
	[tilespmem:$0x18400] =	vst v63  }
0x18: {  	_ =	swait.ge [sflag:s10], $0x100  }
0x19: {  	[sflag:s10] =	ssyncset.done $0x0  }
0x1a: {  	[sflag:s10] =	ssyncadd.s32 $0xFFFFFF00  }
0x1b: {  	[tilespmem:s13], [sflag:$0x1] =	stream.linear.gather [hbm4b:s0+s4], $0x80, $0x38;
	[tilespmem:$0x18400] =	vst v63  }
0x1c: {  	_ =	swait.ge [sflag:s10], $0x80  }
0x1d: {  	[sflag:s10] =	ssyncset.done $0x0  }
0x1e: {  	[sflag:s10] =	ssyncadd.s32 $0xFFFFFF80  }
0x1f: {  	[tilespmem:s14], [sflag:$0x1] =	stream.linear.gather [hbm4b:s2+s4], $0x80, $0x38;
	[tilespmem:$0x18400] =	vst v63  }
0x20: {  	_ =	swait.ge [sflag:s10], $0x80  }
0x21: {  	[sflag:s10] =	ssyncset.done $0x0  }
0x22: {  	s17 =	simm.s32 $0x0;
	[sflag:s10] =	ssyncadd.s32 $0xFFFFFF80  }
0x23: {  	v4 =	vld [tilespmem:s17+$0x8320]  }
0x24: {  	v5 =	vld [tilespmem:s17+$0x320]  }
0x25: {  	v6 =	vld [tilespmem:s17+$0x8310]  }
0x26: {  	v7 =	vld [tilespmem:s17+$0x300]  }
0x27: {  	v8 =	vld [tilespmem:s17+$0x8300]  }
0x28: {  	v9 =	vld [tilespmem:s17+$0x310]  }
0x29: {  	v10 =	vld [tilespmem:s17+$0x10340]  }
0x2a: {  	v11 =	vld [tilespmem:s17+$0x10320]  }
0x2b: {  	v12 =	vld [tilespmem:s17+$0x8330]  }
0x2c: {  	v13 =	vld [tilespmem:s17+$0x8340]  }
0x2d: {  	v14 =	vld [tilespmem:s17+$0x10300]  }
0x2e: {  	v15 =	vld [tilespmem:s17+$0x10310]  }
0x2f: {  	v17 =	vld [tilespmem:s17+$0x330]  }
0x30: {  	v16 =	vld [tilespmem:s17+$0x340]  }
0x31: {  	v7 =	vadd.f32 v8, v7;
	v6 =	vadd.f32 v6, v9;
	v8 =	vld [tilespmem:s17+$0x10330]  }
0x32: {  	v4 =	vadd.f32 v4, v5;
	v5 =	vld [tilespmem:s17+$0x8350]  }
0x33: {  	v9 =	vld [tilespmem:s17+$0x350];
	v7 =	vadd.f32 v14, v7;
	v6 =	vadd.f32 v15, v6  }
0x34: {  	v18 =	vld [tilespmem:s17+$0x360];
	v12 =	vadd.f32 v12, v17  }
0x35: {  	v17 =	vld [tilespmem:s17+$0x10350];
	v11 =	vadd.f32 v11, v4;
	v14 =	vmul.f32 v7, v7;
	v15 =	vmul.f32 v6, v6  }
0x36: {  	v13 =	vadd.f32 v13, v16;
	v4 =	vld [tilespmem:s17+$0x8360];
	v16 =	vadd.f32 v6, v7  }
0x37: {  	v8 =	vadd.f32 v8, v12;
	v12 =	vld [tilespmem:s17+$0x10360];
	v14 =	vadd.f32 v15, v14;
	v15 =	vmul.f32 v11, v11  }
0x38: {  	v5 =	vadd.f32 v5, v9;
	v9 =	vld [tilespmem:s17+$0x8370];
	v16 =	vadd.f32 v11, v16  }
0x39: {  	v10 =	vadd.f32 v10, v13;
	v13 =	vadd.f32 v15, v14;
	v14 =	vmul.f32 v8, v8;
	v15 =	vld [tilespmem:s17+$0x370]  }
0x3a: {  	v5 =	vadd.f32 v17, v5;
	v16 =	vadd.f32 v8, v16  }
0x3b: {  	v4 =	vadd.f32 v4, v18;
	v17 =	vld [tilespmem:s17+$0x10370];
	v13 =	vadd.f32 v14, v13;
	v14 =	vmul.f32 v10, v10  }
0x3c: {  	v16 =	vadd.f32 v10, v16  }
0x3d: {  	v18 =	vadd.f32 v12, v4;
	v13 =	vadd.f32 v14, v13;
	v14 =	vmul.f32 v5, v5  }
0x3e: {  	v4 =	vadd.f32 v5, v16;
	v9 =	vadd.f32 v9, v15  }
0x3f: {  	v12 =	vadd.f32 v14, v13  }
0x40: {  	v4 =	vadd.f32 v18, v4;
	v13 =	vmul.f32 v18, v18;
	v17 =	vadd.f32 v17, v9;
	_ =	sdelay $0x1  }
0x41: {  	v9 =	vadd.f32 v13, v12;
	v4 =	vadd.f32 v17, v4;
	v12 =	vmul.f32 v17, v17;
	_ =	sdelay $0x1  }
0x42: {  	v9 =	vadd.f32 v12, v9;
	v12 =	vperm.xlane v4, v0;
	_ =	sdelay $0x1  }
0x43: {  	v4 =	vadd.f32 v4, v12;
	v12 =	vperm.xlane v9, v0;
	_ =	sdelay $0x1  }
0x44: {  	v13 =	vperm.xlane v4, v1;
	v9 =	vadd.f32 v12, v9;
	_ =	sdelay $0x1  }
0x45: {  	v4 =	vadd.f32 v4, v13;
	v12 =	vperm.xlane v9, v1;
	_ =	sdelay $0x1  }
0x46: {  	v13 =	vperm.xlane v4, v2;
	v9 =	vadd.f32 v12, v9;
	_ =	sdelay $0x1  }
0x47: {  	v4 =	vadd.f32 v4, v13;
	v12 =	vperm.xlane v9, v2;
	_ =	sdelay $0x1  }
0x48: {  	v13 =	vperm.xlane v4, v3;
	v9 =	vadd.f32 v12, v9;
	_ =	sdelay $0x1  }
0x49: {  	v4 =	vadd.f32 v4, v13;
	v12 =	vperm.xlane v9, v3;
	_ =	sdelay $0x1  }
0x4a: {  	v19 =	vmul.f32 $7.812500000e-03, v4;
	v4 =	vadd.f32 v12, v9;
	_ =	sdelay $0x1  }
0x4b: {  	v4 =	vmul.f32 $7.812500000e-03, v4;
	v9 =	vmul.f32 v19, v19;
	_ =	sdelay $0x1  }
0x4c: {  	v4 =	vsub.f32 v4, v9;
	_ =	sdelay $0x1  }
0x4d: {  	v4 =	vadd.f32 $9.999999970e-07, v4;
	_ =	sdelay $0x1  }
0x4e: {  	v9 =	vshra.s32 v4, $0x1;
	v4 =	vmul.f32 $5.000000000e-01, v4  }
0x4f: {  	v9 =	vsub.s32 $0x5F3759DF, v9  }
0x50: {  	v12 =	vmul.f32 v9, v4;
	_ =	sdelay $0x1  }
0x51: {  	v12 =	vmul.f32 v9, v12;
	_ =	sdelay $0x1  }
0x52: {  	v12 =	vsub.f32 $1.500000000e+00, v12;
	_ =	sdelay $0x1  }
0x53: {  	v9 =	vmul.f32 v9, v12;
	_ =	sdelay $0x1  }
0x54: {  	v12 =	vmul.f32 v9, v4;
	_ =	sdelay $0x1  }
0x55: {  	v12 =	vmul.f32 v12, v9;
	_ =	sdelay $0x1  }
0x56: {  	v12 =	vsub.f32 $1.500000000e+00, v12;
	_ =	sdelay $0x1  }
0x57: {  	v9 =	vmul.f32 v12, v9;
	_ =	sdelay $0x1  }
0x58: {  	v4 =	vmul.f32 v9, v4;
	_ =	sdelay $0x1  }
0x59: {  	v4 =	vmul.f32 v4, v9;
	_ =	sdelay $0x1  }
0x5a: {  	v4 =	vsub.f32 $1.500000000e+00, v4  }
0x5b: {  	v12 =	vld [tilespmem:$0x18300]  }
0x5c: {  	v7 =	vsub.f32 v7, v19;
	v4 =	vmul.f32 v4, v9  }
0x5d: {  	v9 =	vld [tilespmem:$0x18380]  }
0x5e: {  	v7 =	vmul.f32 v4, v7;
	_ =	sdelay $0x1  }
0x5f: {  	v7 =	vmul.f32 v7, v12;
	_ =	sdelay $0x1  }
0x60: {  	v7 =	vadd.f32 v7, v9;
	_ =	sdelay $0x1  }
0x61: {  	[tilespmem:s17+$0x300] =	vst v7  }
0x62: {  	v7 =	vld [tilespmem:$0x18310]  }
0x63: {  	v6 =	vsub.f32 v6, v19  }
0x64: {  	v9 =	vld [tilespmem:$0x18390]  }
0x65: {  	v6 =	vmul.f32 v4, v6;
	_ =	sdelay $0x1  }
0x66: {  	v6 =	vmul.f32 v6, v7;
	_ =	sdelay $0x1  }
0x67: {  	v6 =	vadd.f32 v6, v9;
	_ =	sdelay $0x1  }
0x68: {  	[tilespmem:s17+$0x310] =	vst v6  }
0x69: {  	v6 =	vld [tilespmem:$0x18320]  }
0x6a: {  	v7 =	vsub.f32 v11, v19  }
0x6b: {  	v9 =	vld [tilespmem:$0x183A0]  }
0x6c: {  	v7 =	vmul.f32 v4, v7;
	_ =	sdelay $0x1  }
0x6d: {  	v6 =	vmul.f32 v7, v6;
	_ =	sdelay $0x1  }
0x6e: {  	v6 =	vadd.f32 v6, v9;
	_ =	sdelay $0x1  }
0x6f: {  	[tilespmem:s17+$0x320] =	vst v6  }
0x70: {  	v6 =	vld [tilespmem:$0x18330]  }
0x71: {  	v7 =	vsub.f32 v8, v19  }
0x72: {  	v8 =	vld [tilespmem:$0x183B0]  }
0x73: {  	v7 =	vmul.f32 v4, v7;
	_ =	sdelay $0x1  }
0x74: {  	v6 =	vmul.f32 v7, v6;
	_ =	sdelay $0x1  }
0x75: {  	v6 =	vadd.f32 v6, v8;
	_ =	sdelay $0x1  }
0x76: {  	[tilespmem:s17+$0x330] =	vst v6  }
0x77: {  	v6 =	vld [tilespmem:$0x18340]  }
0x78: {  	v7 =	vsub.f32 v10, v19  }
0x79: {  	v8 =	vld [tilespmem:$0x183C0]  }
0x7a: {  	v7 =	vmul.f32 v4, v7;
	_ =	sdelay $0x1  }
0x7b: {  	v6 =	vmul.f32 v7, v6;
	_ =	sdelay $0x1  }
0x7c: {  	v6 =	vadd.f32 v6, v8;
	_ =	sdelay $0x1  }
0x7d: {  	[tilespmem:s17+$0x340] =	vst v6  }
0x7e: {  	v6 =	vld [tilespmem:$0x18350]  }
0x7f: {  	v5 =	vsub.f32 v5, v19  }
0x80: {  	s20 =	simm.s32 $0x80;
	v7 =	vld [tilespmem:$0x183D0]  }
0x81: {  	v5 =	vmul.f32 v4, v5;
	v9 =	vld [tilespmem:s20+$0x8320]  }
0x82: {  	v10 =	vld [tilespmem:s20+$0x320]  }
0x83: {  	v8 =	vld [tilespmem:s20+$0x8310];
	v5 =	vmul.f32 v5, v6  }
0x84: {  	v11 =	vld [tilespmem:s20+$0x300]  }
0x85: {  	v12 =	vld [tilespmem:s20+$0x8300];
	v5 =	vadd.f32 v5, v7  }
0x86: {  	v13 =	vld [tilespmem:s20+$0x310]  }
0x87: {  	v7 =	vld [tilespmem:s20+$0x10340];
	[tilespmem:s17+$0x350] =	vst v5  }
0x88: {  	v16 =	vld [tilespmem:$0x18360]  }
0x89: {  	v6 =	vsub.f32 v18, v19;
	v15 =	vld [tilespmem:$0x183E0]  }
0x8a: {  	v14 =	vld [tilespmem:s20+$0x10320]  }
0x8b: {  	s18 =	simm.s32 $0x400;
	v5 =	vsub.f32 v17, v19;
	v17 =	vmul.f32 v4, v6;
	v6 =	vld [tilespmem:s20+$0x8330]  }
.LBB2_2:
0x8c: {  	p0 =	sne.s32 s18, $0x1FE00;
	v18 =	vld [tilespmem:s20+$0x8340];
	s19 =	smov.u32 s18;
	s18 =	sadd.s32 $0x200, s18  }
0x8d: {  	v9 =	vadd.f32 v9, v10;
	v19 =	vld [tilespmem:s20+$0x10300];
	v10 =	vmul.f32 v17, v16  }
0x8e: {  	v16 =	vld [tilespmem:s20+$0x10310]  }
0x8f: {  	v9 =	vadd.f32 v14, v9;
	v14 =	vld [tilespmem:s20+$0x340];
	v10 =	vadd.f32 v10, v15  }
0x90: {  	v15 =	vld [tilespmem:s20+$0x330]  }
0x91: {  	v11 =	vadd.f32 v12, v11;
	v8 =	vadd.f32 v8, v13;
	v12 =	vld [tilespmem:s20+$0x10330];
	[tilespmem:s17+$0x360] =	vst v10  }
0x92: {  	v10 =	vmul.f32 v9, v9;
	v13 =	vld [tilespmem:$0x18370]  }
0x93: {  	v4 =	vmul.f32 v4, v5;
	v11 =	vadd.f32 v19, v11;
	v8 =	vadd.f32 v16, v8;
	v16 =	vld [tilespmem:$0x183F0]  }
0x94: {  	v5 =	vadd.f32 v18, v14;
	v14 =	vld [tilespmem:s20+$0x8350]  }
0x95: {  	v18 =	vmul.f32 v11, v11;
	v17 =	vld [tilespmem:s20+$0x350];
	v19 =	vadd.f32 v8, v11;
	v20 =	vmul.f32 v8, v8  }
0x96: {  	v6 =	vadd.f32 v6, v15;
	v15 =	vld [tilespmem:s20+$0x8360]  }
0x97: {  	v21 =	vld [tilespmem:s20+$0x10350];
	v18 =	vadd.f32 v20, v18;
	v19 =	vadd.f32 v9, v19;
	v4 =	vmul.f32 v13, v4  }
0x98: {  	v5 =	vadd.f32 v7, v5;
	v6 =	vadd.f32 v12, v6;
	v7 =	vld [tilespmem:s20+$0x360]  }
0x99: {  	v10 =	vadd.f32 v10, v18;
	v4 =	vadd.f32 v16, v4  }
0x9a: {  	v16 =	vmul.f32 v6, v6;
	v12 =	vadd.f32 v14, v17;
	v13 =	vld [tilespmem:s20+$0x10360];
	v14 =	vadd.f32 v6, v19  }
0x9b: {  	v17 =	vld [tilespmem:s20+$0x8370];
	[tilespmem:s17+$0x370] =	vst v4;
	s17 =	smov.u32 s20  }
0x9c: {  	v10 =	vadd.f32 v16, v10;
	v16 =	vmul.f32 v5, v5;
	v4 =	vadd.f32 v21, v12;
	v12 =	vld [tilespmem:s17+$0x370]  }
0x9d: {  	v14 =	vadd.f32 v5, v14;
	v7 =	vadd.f32 v15, v7  }
0x9e: {  	v10 =	vadd.f32 v16, v10;
	v15 =	vld [tilespmem:s17+$0x10370];
	v16 =	vmul.f32 v4, v4  }
0x9f: {  	v13 =	vadd.f32 v13, v7;
	v7 =	vadd.f32 v4, v14  }
0xa0: {  	v10 =	vadd.f32 v16, v10  }
0xa1: {  	v12 =	vadd.f32 v17, v12;
	v7 =	vadd.f32 v13, v7;
	v14 =	vmul.f32 v13, v13;
	_ =	sdelay $0x1  }
0xa2: {  	v12 =	vadd.f32 v15, v12;
	v10 =	vadd.f32 v14, v10;
	_ =	sdelay $0x1  }
0xa3: {  	v7 =	vadd.f32 v12, v7;
	v14 =	vmul.f32 v12, v12;
	_ =	sdelay $0x1  }
0xa4: {  	v10 =	vadd.f32 v14, v10;
	v14 =	vperm.xlane v7, v0;
	_ =	sdelay $0x1  }
0xa5: {  	v7 =	vadd.f32 v7, v14;
	v14 =	vperm.xlane v10, v0;
	_ =	sdelay $0x1  }
0xa6: {  	v15 =	vperm.xlane v7, v1;
	v10 =	vadd.f32 v14, v10;
	_ =	sdelay $0x1  }
0xa7: {  	v7 =	vadd.f32 v7, v15;
	v14 =	vperm.xlane v10, v1;
	_ =	sdelay $0x1  }
0xa8: {  	v15 =	vperm.xlane v7, v2;
	v10 =	vadd.f32 v14, v10;
	_ =	sdelay $0x1  }
0xa9: {  	v7 =	vadd.f32 v7, v15;
	v14 =	vperm.xlane v10, v2;
	_ =	sdelay $0x1  }
0xaa: {  	v15 =	vperm.xlane v7, v3;
	v10 =	vadd.f32 v14, v10;
	_ =	sdelay $0x1  }
0xab: {  	v7 =	vadd.f32 v7, v15;
	v14 =	vperm.xlane v10, v3;
	_ =	sdelay $0x1  }
0xac: {  	v15 =	vmul.f32 $7.812500000e-03, v7;
	v7 =	vadd.f32 v14, v10;
	_ =	sdelay $0x1  }
0xad: {  	v7 =	vmul.f32 $7.812500000e-03, v7;
	v10 =	vmul.f32 v15, v15;
	v11 =	vsub.f32 v11, v15  }
0xae: {  	v8 =	vsub.f32 v8, v15;
	v9 =	vsub.f32 v9, v15  }
0xaf: {  	v14 =	vsub.f32 v6, v15;
	v10 =	vsub.f32 v7, v10  }
0xb0: {  	v16 =	vsub.f32 v5, v15;
	v7 =	vsub.f32 v4, v15  }
0xb1: {  	v6 =	vsub.f32 v13, v15;
	v4 =	vadd.f32 $9.999999970e-07, v10  }
0xb2: {  	v5 =	vsub.f32 v12, v15  }
0xb3: {  	v10 =	vshra.s32 v4, $0x1;
	v4 =	vmul.f32 $5.000000000e-01, v4  }
0xb4: {  	v10 =	vsub.s32 $0x5F3759DF, v10  }
0xb5: {  	v12 =	vmul.f32 v10, v4;
	_ =	sdelay $0x1  }
0xb6: {  	v12 =	vmul.f32 v10, v12;
	_ =	sdelay $0x1  }
0xb7: {  	v12 =	vsub.f32 $1.500000000e+00, v12;
	_ =	sdelay $0x1  }
0xb8: {  	v10 =	vmul.f32 v10, v12;
	_ =	sdelay $0x1  }
0xb9: {  	v12 =	vmul.f32 v10, v4;
	_ =	sdelay $0x1  }
0xba: {  	v12 =	vmul.f32 v12, v10;
	_ =	sdelay $0x1  }
0xbb: {  	v12 =	vsub.f32 $1.500000000e+00, v12;
	_ =	sdelay $0x1  }
0xbc: {  	v10 =	vmul.f32 v12, v10;
	_ =	sdelay $0x1  }
0xbd: {  	v4 =	vmul.f32 v10, v4;
	_ =	sdelay $0x1  }
0xbe: {  	v4 =	vmul.f32 v4, v10;
	_ =	sdelay $0x1  }
0xbf: {  	v4 =	vsub.f32 $1.500000000e+00, v4  }
0xc0: {  	v12 =	vld [tilespmem:$0x18300]  }
0xc1: {  	v4 =	vmul.f32 v4, v10  }
0xc2: {  	v10 =	vld [tilespmem:$0x18380]  }
0xc3: {  	v11 =	vmul.f32 v4, v11;
	_ =	sdelay $0x1  }
0xc4: {  	v11 =	vmul.f32 v11, v12;
	_ =	sdelay $0x1  }
0xc5: {  	v10 =	vadd.f32 v11, v10;
	_ =	sdelay $0x1  }
0xc6: {  	[tilespmem:s17+$0x300] =	vst v10  }
0xc7: {  	v10 =	vld [tilespmem:$0x18310];
	_ =	sdelay $0x1  }
0xc8: {  	v11 =	vld [tilespmem:$0x18390]  }
0xc9: {  	v8 =	vmul.f32 v4, v8;
	_ =	sdelay $0x1  }
0xca: {  	v8 =	vmul.f32 v8, v10;
	_ =	sdelay $0x1  }
0xcb: {  	v8 =	vadd.f32 v8, v11;
	_ =	sdelay $0x1  }
0xcc: {  	[tilespmem:s17+$0x310] =	vst v8  }
0xcd: {  	v8 =	vld [tilespmem:$0x18320];
	_ =	sdelay $0x1  }
0xce: {  	v10 =	vld [tilespmem:$0x183A0]  }
0xcf: {  	v9 =	vmul.f32 v4, v9;
	_ =	sdelay $0x1  }
0xd0: {  	v8 =	vmul.f32 v9, v8;
	_ =	sdelay $0x1  }
0xd1: {  	v8 =	vadd.f32 v8, v10;
	_ =	sdelay $0x1  }
0xd2: {  	[tilespmem:s17+$0x320] =	vst v8  }
0xd3: {  	v8 =	vld [tilespmem:$0x18330];
	_ =	sdelay $0x1  }
0xd4: {  	v9 =	vld [tilespmem:$0x183B0]  }
0xd5: {  	v10 =	vmul.f32 v4, v14;
	_ =	sdelay $0x1  }
0xd6: {  	v8 =	vmul.f32 v10, v8;
	_ =	sdelay $0x1  }
0xd7: {  	v8 =	vadd.f32 v8, v9;
	_ =	sdelay $0x1  }
0xd8: {  	[tilespmem:s17+$0x330] =	vst v8  }
0xd9: {  	v8 =	vld [tilespmem:$0x18340];
	_ =	sdelay $0x1  }
0xda: {  	v9 =	vld [tilespmem:$0x183C0]  }
0xdb: {  	v10 =	vmul.f32 v4, v16;
	_ =	sdelay $0x1  }
0xdc: {  	v8 =	vmul.f32 v10, v8;
	_ =	sdelay $0x1  }
0xdd: {  	v8 =	vadd.f32 v8, v9;
	_ =	sdelay $0x1  }
0xde: {  	[tilespmem:s17+$0x340] =	vst v8  }
0xdf: {  	v11 =	vld [tilespmem:$0x18350]  }
0xe0: {  	v13 =	vld [tilespmem:$0x183D0]  }
0xe1: {  	s20 =	sshra.s32 s19, $0x2  }
0xe2: {  	v7 =	vmul.f32 v4, v7;
	v9 =	vld [tilespmem:s20+$0x8320]  }
0xe3: {  	v10 =	vld [tilespmem:s20+$0x320]  }
0xe4: {  	v8 =	vld [tilespmem:s20+$0x8310];
	v7 =	vmul.f32 v7, v11  }
0xe5: {  	v11 =	vld [tilespmem:s20+$0x300]  }
0xe6: {  	v12 =	vld [tilespmem:s20+$0x8300];
	v14 =	vadd.f32 v7, v13  }
0xe7: {  	v13 =	vld [tilespmem:s20+$0x310]  }
.Ltmp0:
0xe8: {  	v7 =	vld [tilespmem:s20+$0x10340];
	[tilespmem:s17+$0x350] =	vst v14;
	(pc) =	sbr.rel @p0 .LBB2_2-.Ltmp0, $4  }
0xe9: {  	v16 =	vld [tilespmem:$0x18360]  }
0xea: {  	v17 =	vmul.f32 v4, v6;
	v15 =	vld [tilespmem:$0x183E0]  }
0xeb: {  	v14 =	vld [tilespmem:s20+$0x10320]  }
0xec: {  	v6 =	vld [tilespmem:s20+$0x8330]  }
0xed: {  	v18 =	vld [tilespmem:s20+$0x8340]  }
0xee: {  	v19 =	vld [tilespmem:s20+$0x10300];
	v16 =	vmul.f32 v17, v16  }
0xef: {  	v27 =	vld [tilespmem:s20+$0x10310]  }
0xf0: {  	v20 =	vld [tilespmem:s20+$0x340];
	v15 =	vadd.f32 v16, v15  }
0xf1: {  	v28 =	vld [tilespmem:s20+$0x330]  }
0xf2: {  	v21 =	vld [tilespmem:s20+$0x10330];
	[tilespmem:s17+$0x360] =	vst v15  }
0xf3: {  	v15 =	vld [tilespmem:$0x18370];
	_ =	sdelay $0x1  }
0xf4: {  	v11 =	vadd.f32 v12, v11;
	v8 =	vadd.f32 v8, v13;
	v22 =	vld [tilespmem:$0x183F0]  }
0xf5: {  	v9 =	vadd.f32 v9, v10;
	v4 =	vmul.f32 v4, v5;
	v29 =	vld [tilespmem:s20+$0x8350]  }
0xf6: {  	v30 =	vadd.f32 v19, v11;
	v8 =	vadd.f32 v27, v8;
	v5 =	vld [tilespmem:s20+$0x350]  }
0xf7: {  	v9 =	vadd.f32 v14, v9;
	v32 =	vadd.f32 v18, v20;
	v31 =	vld [tilespmem:s20+$0x8360];
	v4 =	vmul.f32 v15, v4  }
0xf8: {  	v6 =	vadd.f32 v6, v28;
	v35 =	vld [tilespmem:s20+$0x360];
	v34 =	vmul.f32 v30, v30;
	v17 =	vmul.f32 v8, v8  }
0xf9: {  	v33 =	vld [tilespmem:s20+$0x10350];
	v36 =	vadd.f32 v8, v30;
	v4 =	vadd.f32 v22, v4  }
0xfa: {  	v38 =	vmul.f32 v9, v9;
	v37 =	vld [tilespmem:s20+$0x10360];
	v6 =	vadd.f32 v21, v6;
	v15 =	vadd.f32 v17, v34  }
0xfb: {  	v39 =	vld [tilespmem:s20+$0x8370];
	v18 =	vadd.f32 v9, v36;
	v5 =	vadd.f32 v29, v5;
	[tilespmem:s17+$0x370] =	vst v4  }
0xfc: {  	v41 =	vmul.f32 v6, v6;
	v40 =	vadd.f32 v38, v15;
	v4 =	vadd.f32 v7, v32;
	v42 =	vld [tilespmem:s20+$0x370]  }
0xfd: {  	v43 =	vadd.f32 v6, v18;
	v11 =	vadd.f32 v31, v35  }
0xfe: {  	v5 =	vadd.f32 v33, v5;
	v7 =	vadd.f32 v41, v40;
	v45 =	vld [tilespmem:s20+$0x10370];
	v44 =	vmul.f32 v4, v4  }
0xff: {  	v15 =	vadd.f32 v4, v43  }
0x100: {  	v11 =	vadd.f32 v37, v11;
	v46 =	vmul.f32 v5, v5;
	v7 =	vadd.f32 v44, v7  }
0x101: {  	v15 =	vadd.f32 v5, v15;
	v13 =	vadd.f32 v39, v42  }
0x102: {  	v7 =	vadd.f32 v46, v7  }
0x103: {  	v48 =	vmul.f32 v11, v11;
	v47 =	vadd.f32 v11, v15;
	v13 =	vadd.f32 v45, v13;
	_ =	sdelay $0x1  }
0x104: {  	v7 =	vadd.f32 v48, v7;
	v12 =	vadd.f32 v13, v47;
	v14 =	vmul.f32 v13, v13;
	_ =	sdelay $0x1  }
0x105: {  	v7 =	vadd.f32 v14, v7;
	v49 =	vperm.xlane v12, v0;
	_ =	sdelay $0x1  }
0x106: {  	v12 =	vadd.f32 v12, v49;
	v50 =	vperm.xlane v7, v0;
	_ =	sdelay $0x1  }
0x107: {  	v51 =	vperm.xlane v12, v1;
	v7 =	vadd.f32 v50, v7;
	_ =	sdelay $0x1  }
0x108: {  	v12 =	vadd.f32 v12, v51;
	v14 =	vperm.xlane v7, v1;
	_ =	sdelay $0x1  }
0x109: {  	v15 =	vperm.xlane v12, v2;
	v7 =	vadd.f32 v14, v7;
	_ =	sdelay $0x1  }
0x10a: {  	v12 =	vadd.f32 v12, v15;
	v14 =	vperm.xlane v7, v2;
	_ =	sdelay $0x1  }
0x10b: {  	v15 =	vperm.xlane v12, v3;
	v7 =	vadd.f32 v14, v7;
	_ =	sdelay $0x1  }
0x10c: {  	v12 =	vadd.f32 v12, v15;
	v14 =	vperm.xlane v7, v3;
	_ =	sdelay $0x1  }
0x10d: {  	v12 =	vmul.f32 $7.812500000e-03, v12;
	v7 =	vadd.f32 v14, v7;
	_ =	sdelay $0x1  }
0x10e: {  	v7 =	vmul.f32 $7.812500000e-03, v7;
	v52 =	vmul.f32 v12, v12;
	_ =	sdelay $0x1  }
0x10f: {  	v7 =	vsub.f32 v7, v52;
	_ =	sdelay $0x1  }
0x110: {  	v7 =	vadd.f32 $9.999999970e-07, v7;
	_ =	sdelay $0x1  }
0x111: {  	v53 =	vshra.s32 v7, $0x1;
	v7 =	vmul.f32 $5.000000000e-01, v7  }
0x112: {  	v14 =	vsub.s32 $0x5F3759DF, v53  }
0x113: {  	v54 =	vmul.f32 v14, v7;
	_ =	sdelay $0x1  }
0x114: {  	v15 =	vmul.f32 v14, v54;
	_ =	sdelay $0x1  }
0x115: {  	v15 =	vsub.f32 $1.500000000e+00, v15;
	_ =	sdelay $0x1  }
0x116: {  	v14 =	vmul.f32 v14, v15;
	_ =	sdelay $0x1  }
0x117: {  	v15 =	vmul.f32 v14, v7;
	_ =	sdelay $0x1  }
0x118: {  	v15 =	vmul.f32 v15, v14;
	_ =	sdelay $0x1  }
0x119: {  	v15 =	vsub.f32 $1.500000000e+00, v15;
	_ =	sdelay $0x1  }
0x11a: {  	v14 =	vmul.f32 v15, v14;
	_ =	sdelay $0x1  }
0x11b: {  	v7 =	vmul.f32 v14, v7;
	_ =	sdelay $0x1  }
0x11c: {  	v7 =	vmul.f32 v7, v14;
	_ =	sdelay $0x1  }
0x11d: {  	v7 =	vsub.f32 $1.500000000e+00, v7  }
0x11e: {  	v55 =	vld [tilespmem:$0x18300]  }
0x11f: {  	v10 =	vsub.f32 v30, v12;
	v7 =	vmul.f32 v7, v14  }
0x120: {  	v56 =	vld [tilespmem:$0x18380]  }
0x121: {  	v10 =	vmul.f32 v7, v10;
	_ =	sdelay $0x1  }
0x122: {  	v10 =	vmul.f32 v10, v55;
	_ =	sdelay $0x1  }
0x123: {  	v10 =	vadd.f32 v10, v56;
	_ =	sdelay $0x1  }
0x124: {  	[tilespmem:s20+$0x300] =	vst v10  }
0x125: {  	v10 =	vld [tilespmem:$0x18310]  }
0x126: {  	v8 =	vsub.f32 v8, v12  }
0x127: {  	v57 =	vld [tilespmem:$0x18390]  }
0x128: {  	v8 =	vmul.f32 v7, v8;
	_ =	sdelay $0x1  }
0x129: {  	v8 =	vmul.f32 v8, v10;
	_ =	sdelay $0x1  }
0x12a: {  	v8 =	vadd.f32 v8, v57;
	_ =	sdelay $0x1  }
0x12b: {  	[tilespmem:s20+$0x310] =	vst v8  }
0x12c: {  	v8 =	vld [tilespmem:$0x18320]  }
0x12d: {  	v9 =	vsub.f32 v9, v12  }
0x12e: {  	v58 =	vld [tilespmem:$0x183A0]  }
0x12f: {  	v9 =	vmul.f32 v7, v9;
	_ =	sdelay $0x1  }
0x130: {  	v8 =	vmul.f32 v9, v8;
	_ =	sdelay $0x1  }
0x131: {  	v8 =	vadd.f32 v8, v58;
	_ =	sdelay $0x1  }
0x132: {  	[tilespmem:s20+$0x320] =	vst v8  }
0x133: {  	v8 =	vld [tilespmem:$0x18330]  }
0x134: {  	v6 =	vsub.f32 v6, v12  }
0x135: {  	v59 =	vld [tilespmem:$0x183B0]  }
0x136: {  	v6 =	vmul.f32 v7, v6;
	_ =	sdelay $0x1  }
0x137: {  	v6 =	vmul.f32 v6, v8;
	_ =	sdelay $0x1  }
0x138: {  	v6 =	vadd.f32 v6, v59;
	_ =	sdelay $0x1  }
0x139: {  	[tilespmem:s20+$0x330] =	vst v6  }
0x13a: {  	v6 =	vld [tilespmem:$0x18340]  }
0x13b: {  	v4 =	vsub.f32 v4, v12  }
0x13c: {  	v60 =	vld [tilespmem:$0x183C0]  }
0x13d: {  	v4 =	vmul.f32 v7, v4;
	_ =	sdelay $0x1  }
0x13e: {  	v4 =	vmul.f32 v4, v6;
	_ =	sdelay $0x1  }
0x13f: {  	v4 =	vadd.f32 v4, v60;
	_ =	sdelay $0x1  }
0x140: {  	[tilespmem:s20+$0x340] =	vst v4  }
0x141: {  	v4 =	vld [tilespmem:$0x18350]  }
0x142: {  	v5 =	vsub.f32 v5, v12  }
0x143: {  	v61 =	vld [tilespmem:$0x183D0]  }
0x144: {  	v5 =	vmul.f32 v7, v5;
	_ =	sdelay $0x1  }
0x145: {  	v4 =	vmul.f32 v5, v4;
	_ =	sdelay $0x1  }
0x146: {  	v4 =	vadd.f32 v4, v61;
	_ =	sdelay $0x1  }
0x147: {  	[tilespmem:s20+$0x350] =	vst v4  }
0x148: {  	v4 =	vld [tilespmem:$0x18360]  }
0x149: {  	v5 =	vsub.f32 v11, v12  }
0x14a: {  	v62 =	vld [tilespmem:$0x183E0]  }
0x14b: {  	v5 =	vmul.f32 v7, v5;
	_ =	sdelay $0x1  }
0x14c: {  	v4 =	vmul.f32 v5, v4;
	_ =	sdelay $0x1  }
0x14d: {  	v4 =	vadd.f32 v4, v62;
	_ =	sdelay $0x1  }
0x14e: {  	[tilespmem:s20+$0x360] =	vst v4  }
0x14f: {  	v4 =	vld [tilespmem:$0x18370]  }
0x150: {  	v5 =	vsub.f32 v13, v12  }
0x151: {  	v63 =	vld [tilespmem:$0x183F0]  }
0x152: {  	v5 =	vmul.f32 v7, v5;
	_ =	sdelay $0x1  }
0x153: {  	v4 =	vmul.f32 v4, v5;
	_ =	sdelay $0x1  }
0x154: {  	s16 =	sadd.s32 $0x1, s16;
	v4 =	vadd.f32 v63, v4  }
0x155: {  	p0 =	sne.s32 s16, s9  }
.Ltmp1:
0x156: {  	[tilespmem:s20+$0x370] =	vst v4;
	(pc) =	sbr.rel @p0 .LBB2_1-.Ltmp1, $4  }
0x157: {  	[hbm4b:s8+s4] =	stream.linear.scatter [tilespmem:s15], [sflag:$0x1], $0x8000, $0x38;
	[tilespmem:$0x18400] =	vst v63  }
0x158: {  	_ =	swait.ge [sflag:s10], $0x8000  }
0x159: {  	[sflag:s10] =	ssyncset.done $0x0  }
0x15a: {  	[sflag:s10] =	ssyncadd.s32 $0xFFFF8000  }
0x15b: {  	_ =	sfence.sel $0x180000  }
0x15c: {  	[bflag:$0x0] =	sbarrier.arrive $0xFFFF  }
0x15d: {  	p0 =	sne.s32 s1, $0x0;
	_ =	strace $0x90000047  }
0x15e: {  	s0 =	sadd.s32 @!p0 $0x100000, s3;
	[bflag:$0x2] =	sbarrier.arrive $0xFFFF  }
0x15f: {  	[sflag:s0] =	ssyncadd.tile.s32 @!p0 $0x1;
	_ =	shalt  }
.Lfunc_end2:
_tile_overlayer_lowered:
.L_overlay_start_2:
0x160: {  	(tag) =	ssettag $0x2  }
0x161: {  	s0 =	rddreg [dreg:$0x0];
	s2 =	stileid.u32  }
0x162: {  	s1 =	rddreg [dreg:$0x1];
	p0 =	sne.s32 s2, $0x0  }
0x163: {  	s3 =	rddreg [dreg:$0x2];
	[bflag:$0x3] =	sbarrier.arrive $0xFFFF;
	s2 =	simm.s32 @!p0 $0x1C01  }
0x164: {  	[timem:s3], [sflag:s2] =	dma.local @!p0 [hbm:s0], s1  }
0x165: {  	s0 =	simm.s32 @!p0 $0x1  }
0x166: {  	_ =	swait.ge @!p0 [sflag:s0], s1  }
0x167: {  	s1 =	ssub.s32 @!p0 $0x0, s1;
	[sflag:s0] =	ssyncset.done @!p0 $0x0  }
0x168: {  	[sflag:s0] =	ssyncadd.s32 @!p0 s1  }
0x169: {  	[bflag:$0x3] =	sbarrier.arrive $0xFFFF  }
0x16a: {  	_ =	shalt  }

</sc_bundles>
